<compile_context>
chip_gen: v7x
topology: tpu7x:2x2x1
jax: 0.10.2.dev20260603
libtpu: 0.0.44.dev20260713+nightly
codegen_flags: <defaults>
</compile_context>

<pallas_src>
import jax
import jax.numpy as jnp
from jax import lax
from jax.experimental import pallas as pl
from jax.experimental.pallas import tpu as pltpu
from jax.experimental.pallas import tpu_sc as plsc

RES = 128
THRESH = 0.01
N = 2097152
N_CELLS = RES * RES * RES
SENTINEL = 2 * N_CELLS
QCELLS = N_CELLS // 4
SPAD = 8192

NUM_TILES = 16
NPT = N // NUM_TILES
CHUNK = 8192
NCHUNK = NPT // CHUNK
QSLAB = QCELLS // NUM_TILES

PB = 65536


def _idx_body(x_ref, y_ref, z_ref, dens_ref, idx_ref):
    ix = jnp.clip((x_ref[...] * 127.0).astype(jnp.int32), 0, RES - 1)
    iy = jnp.clip((y_ref[...] * 127.0).astype(jnp.int32), 0, RES - 1)
    iz = jnp.clip((z_ref[...] * 127.0).astype(jnp.int32), 0, RES - 1)
    lin = (ix * RES + iy) * RES + iz
    occ = dens_ref[...] > THRESH
    idx_ref[...] = jnp.where(occ, lin, SENTINEL)


_index_kernel = pl.pallas_call(
    _idx_body,
    out_shape=jax.ShapeDtypeStruct((N,), jnp.int32),
    grid=(N // PB,),
    in_specs=[pl.BlockSpec((PB,), lambda i: (i,))] * 4,
    out_specs=pl.BlockSpec((PB,), lambda i: (i,)),
)


def _body(idx_ref, grid_ref, out_ref,
          iv, idxbuf0, idxbuf1, ones, gshared, sem_in, sem_scat):
    cid = lax.axis_index("c")
    sid = lax.axis_index("s")

    @pl.loop(0, CHUNK // 16)
    def _fill(r):
        ones[pl.ds(r * 16, 16)] = jnp.full((16,), 1.0, jnp.float32)

    def start_in(c, b):
        base = sid * NPT + c * CHUNK
        pltpu.async_copy(idx_ref.at[pl.ds(base, CHUNK)],
                         iv.at[b], sem_in.at[b])

    def wait_in(b):
        pltpu.make_async_copy(idx_ref.at[pl.ds(0, CHUNK)],
                              iv.at[b], sem_in.at[b]).wait()

    def compute(b, q_base):
        idxbuf = idxbuf0 if b == 0 else idxbuf1

        @pl.loop(0, CHUNK // 128)
        def _row(r):
            for g in range(8):
                off = r * 128 + g * 16
                lin = iv[b, pl.ds(off, 16)]
                local = lin - q_base
                keep = (local >= 0) & (local < QCELLS)
                trash = QCELLS + (off & (SPAD - 1))
                idxbuf[pl.ds(off, 16)] = jnp.where(keep, local, trash)

    def fire_scat(b):
        idxbuf = idxbuf0 if b == 0 else idxbuf1
        pltpu.async_copy(ones, gshared.at[idxbuf], sem_scat.at[b])

    def drain_scat(b):
        idxbuf = idxbuf0 if b == 0 else idxbuf1
        pltpu.make_async_copy(ones, gshared.at[idxbuf],
                              sem_scat.at[b]).wait()

    NJ = NCHUNK // 2

    for p in range(2):
        q_base = (cid * 2 + p) * QCELLS

        pltpu.sync_copy(grid_ref.at[pl.ds(q_base + sid * QSLAB, QSLAB)],
                        gshared.at[pl.ds(sid * QSLAB, QSLAB)])
        plsc.subcore_barrier()

        start_in(0, 0)
        start_in(1, 1)

        @pl.loop(0, NJ)
        def _j(j):
            for h in range(2):
                c = 2 * j + h
                wait_in(h)

                @pl.when(j > 0)
                def _():
                    drain_scat(h)

                compute(h, q_base)
                fire_scat(h)

                @pl.when(j + 1 < NJ)
                def _():
                    start_in(c + 2, h)

        drain_scat(0)
        drain_scat(1)
        plsc.subcore_barrier()

        pltpu.sync_copy(gshared.at[pl.ds(sid * QSLAB, QSLAB)],
                        out_ref.at[pl.ds(q_base + sid * QSLAB, QSLAB)])
        if p == 0:
            plsc.subcore_barrier()


_mesh = plsc.VectorSubcoreMesh(
    core_axis_name="c", subcore_axis_name="s", num_cores=2)

_scatter = pl.kernel(
    _body,
    out_type=jax.ShapeDtypeStruct((N_CELLS,), jnp.float32),
    mesh=_mesh,
    scratch_types=[
        pltpu.VMEM((2, CHUNK), jnp.int32),
        pltpu.VMEM((CHUNK,), jnp.int32),
        pltpu.VMEM((CHUNK,), jnp.int32),
        pltpu.VMEM((CHUNK,), jnp.float32),
        pltpu.VMEM_SHARED((QCELLS + SPAD,), jnp.float32),
        pltpu.SemaphoreType.DMA((2,)),
        pltpu.SemaphoreType.DMA((2,)),
    ],
)


@jax.jit
def kernel(coords, densities, grid):
    idx = _index_kernel(coords[:, 0], coords[:, 1], coords[:, 2], densities)
    out = _scatter(idx, grid.reshape(-1))
    return out.reshape(RES, RES, RES)

# --- scband reference (transcript-rebuilt; emitter-appended) ---
"""Pipeline reference for scband-occupancy-grid-11587821765183 (READ-ONLY COPY).

The authoritative reference and input builder live on the scoring server;
editing this copy changes nothing except your own understanding.
"""

import jax, jax.numpy as jnp
import numpy as np

RES = 128
THRESH = 0.01
N = 2097152


def setup_inputs(seed: int = 0) -> dict:
    key = jax.random.key(seed)
    k1, k2 = jax.random.split(key)
    coords = jax.random.uniform(k1, (N, 3), dtype=jnp.float32)
    densities = jax.random.uniform(k2, (N,), dtype=jnp.float32)
    # occupancy grid buffer (registered buffer in the torch module, init zeros)
    grid = jnp.zeros((RES, RES, RES), dtype=jnp.float32)
    return {"coords": coords, "densities": densities, "grid": grid}


def reference(coords, densities, grid):
    # Faithful translation of OccupancyGrid.update_grid:
    #   grid_indices = (coords * (R-1)).long(); clamp to [0, R-1]
    #   occupied_mask = densities > threshold
    #   grid[idx[occupied]] = 1.0
    # Since grid values are in {0, 1}, writing 1.0 at occupied indices is
    # exactly a scatter-max with the occupied mask (duplicates resolve to 1
    # if any colliding point is occupied, matching the torch semantics).
    gi = jnp.clip((coords * (RES - 1)).astype(jnp.int32), 0, RES - 1)
    occ = (densities > THRESH).astype(grid.dtype)
    new_grid = grid.at[gi[:, 0], gi[:, 1], gi[:, 2]].max(occ)
    return new_grid

if __name__ == "__main__":
    import jax
    _d = setup_inputs()
    print(jax.jit(kernel)(*tuple(_d.values())))

</pallas_src>

<mosaic_0001>
#map = affine_map<(d0, d1) -> (0)>
module attributes {stable_mosaic.version = 14 : i64} {
  func.func @_body(%arg0: i32, %arg1: i32, %arg2: memref<2097152xi32, #tpu.memory_space<hbm>>, %arg3: memref<2097152xf32, #tpu.memory_space<hbm>>, %arg4: memref<2097152xf32, #tpu.memory_space<hbm>>, %arg5: memref<2x8192xi32, #tpu.memory_space<vmem>>, %arg6: memref<8192xi32, #tpu.memory_space<vmem>>, %arg7: memref<8192xi32, #tpu.memory_space<vmem>>, %arg8: memref<8192xf32, #tpu.memory_space<vmem>>, %arg9: memref<532480xf32, #tpu.memory_space<vmem_shared>>, %arg10: memref<2x!tpu.dma_semaphore, #tpu.memory_space<semaphore_mem>>, %arg11: memref<2x!tpu.dma_semaphore, #tpu.memory_space<semaphore_mem>>) attributes {dimension_semantics = [#tpu.dimension_semantics<core_parallel>, #tpu.dimension_semantics<subcore_parallel>], iteration_bounds = array<i64: 2, 16>, scalar_prefetch = 0 : i64, scratch_operands = 7 : i64, tpu.core_type = #tpu.core_type<sc_vector_subcore>, window_params = [{transform_indices = #map}, {transform_indices = #map}, {transform_indices = #map}]} {
    %scan3A = arith.constant 0 : i32
    %scan3A_0 = arith.constant 512 : i32
    %scan3A_1 = arith.addi %scan3A, %scan3A_0 : i32
    %scan3A_2 = arith.constant 1 : i32
    scf.for %scan3A_130 = %scan3A to %scan3A_1 step %scan3A_2  : i32 {
      %mul3A_131 = arith.constant 1 : i32
      %mul3A_132 = arith.muli %scan3A_130, %mul3A_131 : i32
      %add3A_133 = arith.constant 0 : i32
      %add3A_134 = arith.addi %add3A_133, %mul3A_132 : i32
      %broadcast_in_dim3A = arith.constant 1.000000e+00 : f32
      %broadcast_in_dim3A_135 = vector.broadcast %broadcast_in_dim3A : f32 to vector<16xf32>
      %mul3A_136 = arith.constant 16 : i32
      %mul3A_137 = arith.muli %add3A_134, %mul3A_136 : i32
      %swap3A = arith.index_cast %mul3A_137 : i32 to index
      %swap3A_138 = tpu.vector_load %arg8[%swap3A] {strides = array<i32>} : memref<8192xf32, #tpu.memory_space<vmem>>, vector<16xf32>,
      %swap3A_139 = vector.shape_cast %swap3A_138 : vector<16xf32> to vector<16xf32>
      %swap3A_140 = vector.shape_cast %broadcast_in_dim3A_135 : vector<16xf32> to vector<16xf32>
      tpu.vector_store %arg8[%swap3A], %swap3A_140 {strides = array<i32>} : memref<8192xf32, #tpu.memory_space<vmem>>, vector<16xf32>,
    }
    %scan3A_3 = arith.constant 512 : i32
    %mul3A = arith.constant 2 : i32
    %mul3A_4 = arith.muli %arg0, %mul3A : i32
    %add3A = arith.constant 0 : i32
    %add3A_5 = arith.addi %mul3A_4, %add3A : i32
    %mul3A_6 = arith.constant 524288 : i32
    %mul3A_7 = arith.muli %add3A_5, %mul3A_6 : i32
    %mul3A_8 = arith.constant 32768 : i32
    %mul3A_9 = arith.muli %arg1, %mul3A_8 : i32
    %add3A_10 = arith.addi %mul3A_7, %mul3A_9 : i32
    %mul3A_11 = arith.constant 32768 : i32
    %mul3A_12 = arith.muli %arg1, %mul3A_11 : i32
    "tpu.region"() ({
      %run_scoped3A = tpu.sem_alloc : memref<!tpu.dma_semaphore, #tpu.memory_space<semaphore_mem>>
      %dma_start3A_130 = tpu.memref_slice %arg9[%mul3A_12] : memref<532480xf32, #tpu.memory_space<vmem_shared>> -> memref<32768xf32, #tpu.memory_space<vmem_shared>>
      %dma_start3A_131 = tpu.memref_slice %arg3[%add3A_10] : memref<2097152xf32, #tpu.memory_space<hbm>> -> memref<32768xf32, #tpu.memory_space<hbm>>
      tpu.enqueue_dma source(%dma_start3A_131 : memref<32768xf32, #tpu.memory_space<hbm>>) target(%dma_start3A_130 : memref<32768xf32, #tpu.memory_space<vmem_shared>>) target_semaphore(%run_scoped3A : memref<!tpu.dma_semaphore, #tpu.memory_space<semaphore_mem>>)
      %dma_wait3A_132 = tpu.memref_slice %arg9[%mul3A_12] : memref<532480xf32, #tpu.memory_space<vmem_shared>> -> memref<32768xf32, #tpu.memory_space<vmem_shared>>
      %dma_wait3A_133 = tpu.memref_slice %arg3[%add3A_10] : memref<2097152xf32, #tpu.memory_space<hbm>> -> memref<32768xf32, #tpu.memory_space<hbm>>
      tpu.wait_dma2 semaphore(%run_scoped3A : memref<!tpu.dma_semaphore, #tpu.memory_space<semaphore_mem>>) src(%dma_wait3A_133 : memref<32768xf32, #tpu.memory_space<hbm>>) dst(%dma_wait3A_132 : memref<32768xf32, #tpu.memory_space<vmem_shared>>)
      tpu.yield
    }) : () -> ()
    %barrier3A = arith.constant 0 : index
    tpu.barrier barrier_id(%barrier3A)
    %mul3A_13 = arith.constant 131072 : i32
    %mul3A_14 = arith.muli %arg1, %mul3A_13 : i32
    %add3A_15 = arith.constant 0 : i32
    %add3A_16 = arith.addi %mul3A_14, %add3A_15 : i32
    %dma_start3A = arith.constant 0 : i32
    %dma_start3A_17 = arith.constant 0 : i32
    %dma_start3A_18 = arith.constant 0 : i32
    %dma_start3A_19 = tpu.memref_slice %arg5[%dma_start3A, %dma_start3A_18] : memref<2x8192xi32, #tpu.memory_space<vmem>> -> memref<1x8192xi32, #tpu.memory_space<vmem>>
    %dma_start3A_20 = tpu.memref_squeeze %dma_start3A_19 : memref<1x8192xi32, #tpu.memory_space<vmem>> -> memref<8192xi32, #tpu.memory_space<vmem>>
    %dma_start3A_21 = tpu.memref_slice %arg2[%add3A_16] : memref<2097152xi32, #tpu.memory_space<hbm>> -> memref<8192xi32, #tpu.memory_space<hbm>>
    %dma_start3A_22 = tpu.memref_slice %arg10[%dma_start3A_17] : memref<2x!tpu.dma_semaphore, #tpu.memory_space<semaphore_mem>> -> memref<1x!tpu.dma_semaphore, #tpu.memory_space<semaphore_mem>>
    %dma_start3A_23 = tpu.memref_squeeze %dma_start3A_22 : memref<1x!tpu.dma_semaphore, #tpu.memory_space<semaphore_mem>> -> memref<!tpu.dma_semaphore, #tpu.memory_space<semaphore_mem>>
    %dma_start3A_24 = arith.constant 0 : i32
    %dma_start3A_25 = tpu.memref_slice %arg5[%dma_start3A, %dma_start3A_24] : memref<2x8192xi32, #tpu.memory_space<vmem>> -> memref<1x8192xi32, #tpu.memory_space<vmem>>
    %dma_start3A_26 = tpu.memref_squeeze %dma_start3A_25 : memref<1x8192xi32, #tpu.memory_space<vmem>> -> memref<8192xi32, #tpu.memory_space<vmem>>
    %dma_start3A_27 = tpu.memref_slice %arg2[%add3A_16] : memref<2097152xi32, #tpu.memory_space<hbm>> -> memref<8192xi32, #tpu.memory_space<hbm>>
    tpu.enqueue_dma source(%dma_start3A_27 : memref<8192xi32, #tpu.memory_space<hbm>>) target(%dma_start3A_26 : memref<8192xi32, #tpu.memory_space<vmem>>) target_semaphore(%dma_start3A_23 : memref<!tpu.dma_semaphore, #tpu.memory_space<semaphore_mem>>)
    %mul3A_28 = arith.constant 131072 : i32
    %mul3A_29 = arith.muli %arg1, %mul3A_28 : i32
    %add3A_30 = arith.constant 8192 : i32
    %add3A_31 = arith.addi %mul3A_29, %add3A_30 : i32
    %dma_start3A_32 = arith.constant 1 : i32
    %dma_start3A_33 = arith.constant 1 : i32
    %dma_start3A_34 = arith.constant 0 : i32
    %dma_start3A_35 = tpu.memref_slice %arg5[%dma_start3A_32, %dma_start3A_34] : memref<2x8192xi32, #tpu.memory_space<vmem>> -> memref<1x8192xi32, #tpu.memory_space<vmem>>
    %dma_start3A_36 = tpu.memref_squeeze %dma_start3A_35 : memref<1x8192xi32, #tpu.memory_space<vmem>> -> memref<8192xi32, #tpu.memory_space<vmem>>
    %dma_start3A_37 = tpu.memref_slice %arg2[%add3A_31] : memref<2097152xi32, #tpu.memory_space<hbm>> -> memref<8192xi32, #tpu.memory_space<hbm>>
    %dma_start3A_38 = tpu.memref_slice %arg10[%dma_start3A_33] : memref<2x!tpu.dma_semaphore, #tpu.memory_space<semaphore_mem>> -> memref<1x!tpu.dma_semaphore, #tpu.memory_space<semaphore_mem>>
    %dma_start3A_39 = tpu.memref_squeeze %dma_start3A_38 : memref<1x!tpu.dma_semaphore, #tpu.memory_space<semaphore_mem>> -> memref<!tpu.dma_semaphore, #tpu.memory_space<semaphore_mem>>
    %dma_start3A_40 = arith.constant 0 : i32
    %dma_start3A_41 = tpu.memref_slice %arg5[%dma_start3A_32, %dma_start3A_40] : memref<2x8192xi32, #tpu.memory_space<vmem>> -> memref<1x8192xi32, #tpu.memory_space<vmem>>
    %dma_start3A_42 = tpu.memref_squeeze %dma_start3A_41 : memref<1x8192xi32, #tpu.memory_space<vmem>> -> memref<8192xi32, #tpu.memory_space<vmem>>
    %dma_start3A_43 = tpu.memref_slice %arg2[%add3A_31] : memref<2097152xi32, #tpu.memory_space<hbm>> -> memref<8192xi32, #tpu.memory_space<hbm>>
    tpu.enqueue_dma source(%dma_start3A_43 : memref<8192xi32, #tpu.memory_space<hbm>>) target(%dma_start3A_42 : memref<8192xi32, #tpu.memory_space<vmem>>) target_semaphore(%dma_start3A_39 : memref<!tpu.dma_semaphore, #tpu.memory_space<semaphore_mem>>)
    %scan3A_44 = arith.constant 0 : i32
    %scan3A_45 = arith.constant 8 : i32
    %scan3A_46 = arith.addi %scan3A_44, %scan3A_45 : i32
    %scan3A_47 = arith.constant 1 : i32
    scf.for %scan3A_130 = %scan3A_44 to %scan3A_46 step %scan3A_47  : i32 {
      %mul3A_131 = arith.constant 1 : i32
      %mul3A_132 = arith.muli %scan3A_130, %mul3A_131 : i32
      %add3A_133 = arith.constant 0 : i32
      %add3A_134 = arith.addi %add3A_133, %mul3A_132 : i32
      %mul3A_135 = arith.constant 2 : i32
      %mul3A_136 = arith.muli %mul3A_135, %add3A_134 : i32
      %add3A_137 = arith.constant 0 : i32
      %add3A_138 = arith.addi %mul3A_136, %add3A_137 : i32
      %dma_wait3A_139 = arith.constant 0 : i32
      %dma_wait3A_140 = arith.constant 0 : i32
      %dma_wait3A_141 = arith.constant 0 : i32
      %dma_wait3A_142 = tpu.memref_slice %arg5[%dma_wait3A_139, %dma_wait3A_141] : memref<2x8192xi32, #tpu.memory_space<vmem>> -> memref<1x8192xi32, #tpu.memory_space<vmem>>
      %dma_wait3A_143 = tpu.memref_squeeze %dma_wait3A_142 : memref<1x8192xi32, #tpu.memory_space<vmem>> -> memref<8192xi32, #tpu.memory_space<vmem>>
      %dma_wait3A_144 = arith.constant 0 : i32
      %dma_wait3A_145 = tpu.memref_slice %arg2[%dma_wait3A_144] : memref<2097152xi32, #tpu.memory_space<hbm>> -> memref<8192xi32, #tpu.memory_space<hbm>>
      %dma_wait3A_146 = tpu.memref_slice %arg10[%dma_wait3A_140] : memref<2x!tpu.dma_semaphore, #tpu.memory_space<semaphore_mem>> -> memref<1x!tpu.dma_semaphore, #tpu.memory_space<semaphore_mem>>
      %dma_wait3A_147 = tpu.memref_squeeze %dma_wait3A_146 : memref<1x!tpu.dma_semaphore, #tpu.memory_space<semaphore_mem>> -> memref<!tpu.dma_semaphore, #tpu.memory_space<semaphore_mem>>
      %dma_wait3A_148 = arith.constant 0 : i32
      %dma_wait3A_149 = tpu.memref_slice %arg5[%dma_wait3A_139, %dma_wait3A_148] : memref<2x8192xi32, #tpu.memory_space<vmem>> -> memref<1x8192xi32, #tpu.memory_space<vmem>>
      %dma_wait3A_150 = tpu.memref_squeeze %dma_wait3A_149 : memref<1x8192xi32, #tpu.memory_space<vmem>> -> memref<8192xi32, #tpu.memory_space<vmem>>
      %dma_wait3A_151 = arith.constant 0 : i32
      %dma_wait3A_152 = tpu.memref_slice %arg2[%dma_wait3A_151] : memref<2097152xi32, #tpu.memory_space<hbm>> -> memref<8192xi32, #tpu.memory_space<hbm>>
      tpu.wait_dma2 semaphore(%dma_wait3A_147 : memref<!tpu.dma_semaphore, #tpu.memory_space<semaphore_mem>>) src(%dma_wait3A_152 : memref<8192xi32, #tpu.memory_space<hbm>>) dst(%dma_wait3A_150 : memref<8192xi32, #tpu.memory_space<vmem>>)
      %gt3A = arith.constant 0 : i32
      %gt3A_153 = arith.cmpi sgt, %add3A_134, %gt3A : i32
      %convert_element_type3A = arith.extui %gt3A_153 : i1 to i32
      %cond3A = arith.constant 0 : i32
      %cond3A_154 = arith.cmpi ne, %convert_element_type3A, %cond3A : i32
      scf.if %cond3A_154 {
        %dma_wait3A_211 = arith.constant 0 : i32
        %dma_wait3A_212 = arith.constant 0 : i32
        %dma_wait3A_213 = tpu.memref_slice %arg9[%dma_wait3A_212] : memref<532480xf32, #tpu.memory_space<vmem_shared>> -> memref<532480xf32, #tpu.memory_space<vmem_shared>>
        %dma_wait3A_214 = tpu.memref_slice %arg11[%dma_wait3A_211] : memref<2x!tpu.dma_semaphore, #tpu.memory_space<semaphore_mem>> -> memref<1x!tpu.dma_semaphore, #tpu.memory_space<semaphore_mem>>
        %dma_wait3A_215 = tpu.memref_squeeze %dma_wait3A_214 : memref<1x!tpu.dma_semaphore, #tpu.memory_space<semaphore_mem>> -> memref<!tpu.dma_semaphore, #tpu.memory_space<semaphore_mem>>
        tpu.wait_indirect_dma semaphore(%dma_wait3A_215 : memref<!tpu.dma_semaphore, #tpu.memory_space<semaphore_mem>>) src(%arg8 : memref<8192xf32, #tpu.memory_space<vmem>>) dst(%dma_wait3A_213 : memref<532480xf32, #tpu.memory_space<vmem_shared>>)
      } else {
      }
      %scan3A_155 = arith.constant 0 : i32
      %scan3A_156 = arith.constant 64 : i32
      %scan3A_157 = arith.addi %scan3A_155, %scan3A_156 : i32
      %scan3A_158 = arith.constant 1 : i32
      scf.for %scan3A_211 = %scan3A_155 to %scan3A_157 step %scan3A_158  : i32 {
        %mul3A_212 = arith.constant 1 : i32
        %mul3A_213 = arith.muli %scan3A_211, %mul3A_212 : i32
        %add3A_214 = arith.constant 0 : i32
        %add3A_215 = arith.addi %add3A_214, %mul3A_213 : i32
        %mul3A_216 = arith.constant 128 : i32
        %mul3A_217 = arith.muli %add3A_215, %mul3A_216 : i32
        %add3A_218 = arith.constant 0 : i32
        %add3A_219 = arith.addi %mul3A_217, %add3A_218 : i32
        %get3A = arith.constant 0 : i32
        %get3A_220 = arith.index_cast %get3A : i32 to index
        %get3A_221 = arith.index_cast %add3A_219 : i32 to index
        %get3A_222 = tpu.vector_load %arg5[%get3A_220, %get3A_221] {strides = array<i32>} : memref<2x8192xi32, #tpu.memory_space<vmem>>, vector<1x16xi32>,
        %get3A_223 = vector.shape_cast %get3A_222 : vector<1x16xi32> to vector<16xi32>
        %sub3A = vector.broadcast %mul3A_7 : i32 to vector<16xi32>
        %sub3A_224 = arith.subi %get3A_223, %sub3A : vector<16xi32>
        %ge3A = arith.constant 0 : i32
        %ge3A_225 = vector.broadcast %ge3A : i32 to vector<16xi32>
        %ge3A_226 = arith.cmpi sge, %sub3A_224, %ge3A_225 : vector<16xi32>
        %lt3A_227 = arith.constant 524288 : i32
        %lt3A_228 = vector.broadcast %lt3A_227 : i32 to vector<16xi32>
        %lt3A_229 = arith.cmpi slt, %sub3A_224, %lt3A_228 : vector<16xi32>
        %and3A = arith.andi %ge3A_226, %lt3A_229 : vector<16xi1>
        %and3A_230 = arith.constant 8191 : i32
        %and3A_231 = arith.andi %add3A_219, %and3A_230 : i32
        %add3A_232 = arith.constant 524288 : i32
        %add3A_233 = arith.addi %add3A_232, %and3A_231 : i32
        %broadcast_in_dim3A = vector.broadcast %add3A_233 : i32 to vector<16xi32>
        %select_n3A = arith.select %and3A, %sub3A_224, %broadcast_in_dim3A : vector<16xi1>, vector<16xi32>
        %swap3A = arith.index_cast %add3A_219 : i32 to index
        %swap3A_234 = tpu.vector_load %arg6[%swap3A] {strides = array<i32>} : memref<8192xi32, #tpu.memory_space<vmem>>, vector<16xi32>,
        %swap3A_235 = vector.shape_cast %swap3A_234 : vector<16xi32> to vector<16xi32>
        %swap3A_236 = vector.shape_cast %select_n3A : vector<16xi32> to vector<16xi32>
        tpu.vector_store %arg6[%swap3A], %swap3A_236 {strides = array<i32>} : memref<8192xi32, #tpu.memory_space<vmem>>, vector<16xi32>,
        %mul3A_237 = arith.constant 128 : i32
        %mul3A_238 = arith.muli %add3A_215, %mul3A_237 : i32
        %add3A_239 = arith.constant 16 : i32
        %add3A_240 = arith.addi %mul3A_238, %add3A_239 : i32
        %get3A_241 = arith.constant 0 : i32
        %get3A_242 = arith.index_cast %get3A_241 : i32 to index
        %get3A_243 = arith.index_cast %add3A_240 : i32 to index
        %get3A_244 = tpu.vector_load %arg5[%get3A_242, %get3A_243] {strides = array<i32>} : memref<2x8192xi32, #tpu.memory_space<vmem>>, vector<1x16xi32>,
        %get3A_245 = vector.shape_cast %get3A_244 : vector<1x16xi32> to vector<16xi32>
        %sub3A_246 = vector.broadcast %mul3A_7 : i32 to vector<16xi32>
        %sub3A_247 = arith.subi %get3A_245, %sub3A_246 : vector<16xi32>
        %ge3A_248 = arith.constant 0 : i32
        %ge3A_249 = vector.broadcast %ge3A_248 : i32 to vector<16xi32>
        %ge3A_250 = arith.cmpi sge, %sub3A_247, %ge3A_249 : vector<16xi32>
        %lt3A_251 = arith.constant 524288 : i32
        %lt3A_252 = vector.broadcast %lt3A_251 : i32 to vector<16xi32>
        %lt3A_253 = arith.cmpi slt, %sub3A_247, %lt3A_252 : vector<16xi32>
        %and3A_254 = arith.andi %ge3A_250, %lt3A_253 : vector<16xi1>
        %and3A_255 = arith.constant 8191 : i32
        %and3A_256 = arith.andi %add3A_240, %and3A_255 : i32
        %add3A_257 = arith.constant 524288 : i32
        %add3A_258 = arith.addi %add3A_257, %and3A_256 : i32
        %broadcast_in_dim3A_259 = vector.broadcast %add3A_258 : i32 to vector<16xi32>
        %select_n3A_260 = arith.select %and3A_254, %sub3A_247, %broadcast_in_dim3A_259 : vector<16xi1>, vector<16xi32>
        %swap3A_261 = arith.index_cast %add3A_240 : i32 to index
        %swap3A_262 = tpu.vector_load %arg6[%swap3A_261] {strides = array<i32>} : memref<8192xi32, #tpu.memory_space<vmem>>, vector<16xi32>,
        %swap3A_263 = vector.shape_cast %swap3A_262 : vector<16xi32> to vector<16xi32>
        %swap3A_264 = vector.shape_cast %select_n3A_260 : vector<16xi32> to vector<16xi32>
        tpu.vector_store %arg6[%swap3A_261], %swap3A_264 {strides = array<i32>} : memref<8192xi32, #tpu.memory_space<vmem>>, vector<16xi32>,
        %mul3A_265 = arith.constant 128 : i32
        %mul3A_266 = arith.muli %add3A_215, %mul3A_265 : i32
        %add3A_267 = arith.constant 32 : i32
        %add3A_268 = arith.addi %mul3A_266, %add3A_267 : i32
        %get3A_269 = arith.constant 0 : i32
        %get3A_270 = arith.index_cast %get3A_269 : i32 to index
        %get3A_271 = arith.index_cast %add3A_268 : i32 to index
        %get3A_272 = tpu.vector_load %arg5[%get3A_270, %get3A_271] {strides = array<i32>} : memref<2x8192xi32, #tpu.memory_space<vmem>>, vector<1x16xi32>,
        %get3A_273 = vector.shape_cast %get3A_272 : vector<1x16xi32> to vector<16xi32>
        %sub3A_274 = vector.broadcast %mul3A_7 : i32 to vector<16xi32>
        %sub3A_275 = arith.subi %get3A_273, %sub3A_274 : vector<16xi32>
        %ge3A_276 = arith.constant 0 : i32
        %ge3A_277 = vector.broadcast %ge3A_276 : i32 to vector<16xi32>
        %ge3A_278 = arith.cmpi sge, %sub3A_275, %ge3A_277 : vector<16xi32>
        %lt3A_279 = arith.constant 524288 : i32
        %lt3A_280 = vector.broadcast %lt3A_279 : i32 to vector<16xi32>
        %lt3A_281 = arith.cmpi slt, %sub3A_275, %lt3A_280 : vector<16xi32>
        %and3A_282 = arith.andi %ge3A_278, %lt3A_281 : vector<16xi1>
        %and3A_283 = arith.constant 8191 : i32
        %and3A_284 = arith.andi %add3A_268, %and3A_283 : i32
        %add3A_285 = arith.constant 524288 : i32
        %add3A_286 = arith.addi %add3A_285, %and3A_284 : i32
        %broadcast_in_dim3A_287 = vector.broadcast %add3A_286 : i32 to vector<16xi32>
        %select_n3A_288 = arith.select %and3A_282, %sub3A_275, %broadcast_in_dim3A_287 : vector<16xi1>, vector<16xi32>
        %swap3A_289 = arith.index_cast %add3A_268 : i32 to index
        %swap3A_290 = tpu.vector_load %arg6[%swap3A_289] {strides = array<i32>} : memref<8192xi32, #tpu.memory_space<vmem>>, vector<16xi32>,
        %swap3A_291 = vector.shape_cast %swap3A_290 : vector<16xi32> to vector<16xi32>
        %swap3A_292 = vector.shape_cast %select_n3A_288 : vector<16xi32> to vector<16xi32>
        tpu.vector_store %arg6[%swap3A_289], %swap3A_292 {strides = array<i32>} : memref<8192xi32, #tpu.memory_space<vmem>>, vector<16xi32>,
        %mul3A_293 = arith.constant 128 : i32
        %mul3A_294 = arith.muli %add3A_215, %mul3A_293 : i32
        %add3A_295 = arith.constant 48 : i32
        %add3A_296 = arith.addi %mul3A_294, %add3A_295 : i32
        %get3A_297 = arith.constant 0 : i32
        %get3A_298 = arith.index_cast %get3A_297 : i32 to index
        %get3A_299 = arith.index_cast %add3A_296 : i32 to index
        %get3A_300 = tpu.vector_load %arg5[%get3A_298, %get3A_299] {strides = array<i32>} : memref<2x8192xi32, #tpu.memory_space<vmem>>, vector<1x16xi32>,
        %get3A_301 = vector.shape_cast %get3A_300 : vector<1x16xi32> to vector<16xi32>
        %sub3A_302 = vector.broadcast %mul3A_7 : i32 to vector<16xi32>
        %sub3A_303 = arith.subi %get3A_301, %sub3A_302 : vector<16xi32>
        %ge3A_304 = arith.constant 0 : i32
        %ge3A_305 = vector.broadcast %ge3A_304 : i32 to vector<16xi32>
        %ge3A_306 = arith.cmpi sge, %sub3A_303, %ge3A_305 : vector<16xi32>
        %lt3A_307 = arith.constant 524288 : i32
        %lt3A_308 = vector.broadcast %lt3A_307 : i32 to vector<16xi32>
        %lt3A_309 = arith.cmpi slt, %sub3A_303, %lt3A_308 : vector<16xi32>
        %and3A_310 = arith.andi %ge3A_306, %lt3A_309 : vector<16xi1>
        %and3A_311 = arith.constant 8191 : i32
        %and3A_312 = arith.andi %add3A_296, %and3A_311 : i32
        %add3A_313 = arith.constant 524288 : i32
        %add3A_314 = arith.addi %add3A_313, %and3A_312 : i32
        %broadcast_in_dim3A_315 = vector.broadcast %add3A_314 : i32 to vector<16xi32>
        %select_n3A_316 = arith.select %and3A_310, %sub3A_303, %broadcast_in_dim3A_315 : vector<16xi1>, vector<16xi32>
        %swap3A_317 = arith.index_cast %add3A_296 : i32 to index
        %swap3A_318 = tpu.vector_load %arg6[%swap3A_317] {strides = array<i32>} : memref<8192xi32, #tpu.memory_space<vmem>>, vector<16xi32>,
        %swap3A_319 = vector.shape_cast %swap3A_318 : vector<16xi32> to vector<16xi32>
        %swap3A_320 = vector.shape_cast %select_n3A_316 : vector<16xi32> to vector<16xi32>
        tpu.vector_store %arg6[%swap3A_317], %swap3A_320 {strides = array<i32>} : memref<8192xi32, #tpu.memory_space<vmem>>, vector<16xi32>,
        %mul3A_321 = arith.constant 128 : i32
        %mul3A_322 = arith.muli %add3A_215, %mul3A_321 : i32
        %add3A_323 = arith.constant 64 : i32
        %add3A_324 = arith.addi %mul3A_322, %add3A_323 : i32
        %get3A_325 = arith.constant 0 : i32
        %get3A_326 = arith.index_cast %get3A_325 : i32 to index
        %get3A_327 = arith.index_cast %add3A_324 : i32 to index
        %get3A_328 = tpu.vector_load %arg5[%get3A_326, %get3A_327] {strides = array<i32>} : memref<2x8192xi32, #tpu.memory_space<vmem>>, vector<1x16xi32>,
        %get3A_329 = vector.shape_cast %get3A_328 : vector<1x16xi32> to vector<16xi32>
        %sub3A_330 = vector.broadcast %mul3A_7 : i32 to vector<16xi32>
        %sub3A_331 = arith.subi %get3A_329, %sub3A_330 : vector<16xi32>
        %ge3A_332 = arith.constant 0 : i32
        %ge3A_333 = vector.broadcast %ge3A_332 : i32 to vector<16xi32>
        %ge3A_334 = arith.cmpi sge, %sub3A_331, %ge3A_333 : vector<16xi32>
        %lt3A_335 = arith.constant 524288 : i32
        %lt3A_336 = vector.broadcast %lt3A_335 : i32 to vector<16xi32>
        %lt3A_337 = arith.cmpi slt, %sub3A_331, %lt3A_336 : vector<16xi32>
        %and3A_338 = arith.andi %ge3A_334, %lt3A_337 : vector<16xi1>
        %and3A_339 = arith.constant 8191 : i32
        %and3A_340 = arith.andi %add3A_324, %and3A_339 : i32
        %add3A_341 = arith.constant 524288 : i32
        %add3A_342 = arith.addi %add3A_341, %and3A_340 : i32
        %broadcast_in_dim3A_343 = vector.broadcast %add3A_342 : i32 to vector<16xi32>
        %select_n3A_344 = arith.select %and3A_338, %sub3A_331, %broadcast_in_dim3A_343 : vector<16xi1>, vector<16xi32>
        %swap3A_345 = arith.index_cast %add3A_324 : i32 to index
        %swap3A_346 = tpu.vector_load %arg6[%swap3A_345] {strides = array<i32>} : memref<8192xi32, #tpu.memory_space<vmem>>, vector<16xi32>,
        %swap3A_347 = vector.shape_cast %swap3A_346 : vector<16xi32> to vector<16xi32>
        %swap3A_348 = vector.shape_cast %select_n3A_344 : vector<16xi32> to vector<16xi32>
        tpu.vector_store %arg6[%swap3A_345], %swap3A_348 {strides = array<i32>} : memref<8192xi32, #tpu.memory_space<vmem>>, vector<16xi32>,
        %mul3A_349 = arith.constant 128 : i32
        %mul3A_350 = arith.muli %add3A_215, %mul3A_349 : i32
        %add3A_351 = arith.constant 80 : i32
        %add3A_352 = arith.addi %mul3A_350, %add3A_351 : i32
        %get3A_353 = arith.constant 0 : i32
        %get3A_354 = arith.index_cast %get3A_353 : i32 to index
        %get3A_355 = arith.index_cast %add3A_352 : i32 to index
        %get3A_356 = tpu.vector_load %arg5[%get3A_354, %get3A_355] {strides = array<i32>} : memref<2x8192xi32, #tpu.memory_space<vmem>>, vector<1x16xi32>,
        %get3A_357 = vector.shape_cast %get3A_356 : vector<1x16xi32> to vector<16xi32>
        %sub3A_358 = vector.broadcast %mul3A_7 : i32 to vector<16xi32>
        %sub3A_359 = arith.subi %get3A_357, %sub3A_358 : vector<16xi32>
        %ge3A_360 = arith.constant 0 : i32
        %ge3A_361 = vector.broadcast %ge3A_360 : i32 to vector<16xi32>
        %ge3A_362 = arith.cmpi sge, %sub3A_359, %ge3A_361 : vector<16xi32>
        %lt3A_363 = arith.constant 524288 : i32
        %lt3A_364 = vector.broadcast %lt3A_363 : i32 to vector<16xi32>
        %lt3A_365 = arith.cmpi slt, %sub3A_359, %lt3A_364 : vector<16xi32>
        %and3A_366 = arith.andi %ge3A_362, %lt3A_365 : vector<16xi1>
        %and3A_367 = arith.constant 8191 : i32
        %and3A_368 = arith.andi %add3A_352, %and3A_367 : i32
        %add3A_369 = arith.constant 524288 : i32
        %add3A_370 = arith.addi %add3A_369, %and3A_368 : i32
        %broadcast_in_dim3A_371 = vector.broadcast %add3A_370 : i32 to vector<16xi32>
        %select_n3A_372 = arith.select %and3A_366, %sub3A_359, %broadcast_in_dim3A_371 : vector<16xi1>, vector<16xi32>
        %swap3A_373 = arith.index_cast %add3A_352 : i32 to index
        %swap3A_374 = tpu.vector_load %arg6[%swap3A_373] {strides = array<i32>} : memref<8192xi32, #tpu.memory_space<vmem>>, vector<16xi32>,
        %swap3A_375 = vector.shape_cast %swap3A_374 : vector<16xi32> to vector<16xi32>
        %swap3A_376 = vector.shape_cast %select_n3A_372 : vector<16xi32> to vector<16xi32>
        tpu.vector_store %arg6[%swap3A_373], %swap3A_376 {strides = array<i32>} : memref<8192xi32, #tpu.memory_space<vmem>>, vector<16xi32>,
        %mul3A_377 = arith.constant 128 : i32
        %mul3A_378 = arith.muli %add3A_215, %mul3A_377 : i32
        %add3A_379 = arith.constant 96 : i32
        %add3A_380 = arith.addi %mul3A_378, %add3A_379 : i32
        %get3A_381 = arith.constant 0 : i32
        %get3A_382 = arith.index_cast %get3A_381 : i32 to index
        %get3A_383 = arith.index_cast %add3A_380 : i32 to index
        %get3A_384 = tpu.vector_load %arg5[%get3A_382, %get3A_383] {strides = array<i32>} : memref<2x8192xi32, #tpu.memory_space<vmem>>, vector<1x16xi32>,
        %get3A_385 = vector.shape_cast %get3A_384 : vector<1x16xi32> to vector<16xi32>
        %sub3A_386 = vector.broadcast %mul3A_7 : i32 to vector<16xi32>
        %sub3A_387 = arith.subi %get3A_385, %sub3A_386 : vector<16xi32>
        %ge3A_388 = arith.constant 0 : i32
        %ge3A_389 = vector.broadcast %ge3A_388 : i32 to vector<16xi32>
        %ge3A_390 = arith.cmpi sge, %sub3A_387, %ge3A_389 : vector<16xi32>
        %lt3A_391 = arith.constant 524288 : i32
        %lt3A_392 = vector.broadcast %lt3A_391 : i32 to vector<16xi32>
        %lt3A_393 = arith.cmpi slt, %sub3A_387, %lt3A_392 : vector<16xi32>
        %and3A_394 = arith.andi %ge3A_390, %lt3A_393 : vector<16xi1>
        %and3A_395 = arith.constant 8191 : i32
        %and3A_396 = arith.andi %add3A_380, %and3A_395 : i32
        %add3A_397 = arith.constant 524288 : i32
        %add3A_398 = arith.addi %add3A_397, %and3A_396 : i32
        %broadcast_in_dim3A_399 = vector.broadcast %add3A_398 : i32 to vector<16xi32>
        %select_n3A_400 = arith.select %and3A_394, %sub3A_387, %broadcast_in_dim3A_399 : vector<16xi1>, vector<16xi32>
        %swap3A_401 = arith.index_cast %add3A_380 : i32 to index
        %swap3A_402 = tpu.vector_load %arg6[%swap3A_401] {strides = array<i32>} : memref<8192xi32, #tpu.memory_space<vmem>>, vector<16xi32>,
        %swap3A_403 = vector.shape_cast %swap3A_402 : vector<16xi32> to vector<16xi32>
        %swap3A_404 = vector.shape_cast %select_n3A_400 : vector<16xi32> to vector<16xi32>
        tpu.vector_store %arg6[%swap3A_401], %swap3A_404 {strides = array<i32>} : memref<8192xi32, #tpu.memory_space<vmem>>, vector<16xi32>,
        %mul3A_405 = arith.constant 128 : i32
        %mul3A_406 = arith.muli %add3A_215, %mul3A_405 : i32
        %add3A_407 = arith.constant 112 : i32
        %add3A_408 = arith.addi %mul3A_406, %add3A_407 : i32
        %get3A_409 = arith.constant 0 : i32
        %get3A_410 = arith.index_cast %get3A_409 : i32 to index
        %get3A_411 = arith.index_cast %add3A_408 : i32 to index
        %get3A_412 = tpu.vector_load %arg5[%get3A_410, %get3A_411] {strides = array<i32>} : memref<2x8192xi32, #tpu.memory_space<vmem>>, vector<1x16xi32>,
        %get3A_413 = vector.shape_cast %get3A_412 : vector<1x16xi32> to vector<16xi32>
        %sub3A_414 = vector.broadcast %mul3A_7 : i32 to vector<16xi32>
        %sub3A_415 = arith.subi %get3A_413, %sub3A_414 : vector<16xi32>
        %ge3A_416 = arith.constant 0 : i32
        %ge3A_417 = vector.broadcast %ge3A_416 : i32 to vector<16xi32>
        %ge3A_418 = arith.cmpi sge, %sub3A_415, %ge3A_417 : vector<16xi32>
        %lt3A_419 = arith.constant 524288 : i32
        %lt3A_420 = vector.broadcast %lt3A_419 : i32 to vector<16xi32>
        %lt3A_421 = arith.cmpi slt, %sub3A_415, %lt3A_420 : vector<16xi32>
        %and3A_422 = arith.andi %ge3A_418, %lt3A_421 : vector<16xi1>
        %and3A_423 = arith.constant 8191 : i32
        %and3A_424 = arith.andi %add3A_408, %and3A_423 : i32
        %add3A_425 = arith.constant 524288 : i32
        %add3A_426 = arith.addi %add3A_425, %and3A_424 : i32
        %broadcast_in_dim3A_427 = vector.broadcast %add3A_426 : i32 to vector<16xi32>
        %select_n3A_428 = arith.select %and3A_422, %sub3A_415, %broadcast_in_dim3A_427 : vector<16xi1>, vector<16xi32>
        %swap3A_429 = arith.index_cast %add3A_408 : i32 to index
        %swap3A_430 = tpu.vector_load %arg6[%swap3A_429] {strides = array<i32>} : memref<8192xi32, #tpu.memory_space<vmem>>, vector<16xi32>,
        %swap3A_431 = vector.shape_cast %swap3A_430 : vector<16xi32> to vector<16xi32>
        %swap3A_432 = vector.shape_cast %select_n3A_428 : vector<16xi32> to vector<16xi32>
        tpu.vector_store %arg6[%swap3A_429], %swap3A_432 {strides = array<i32>} : memref<8192xi32, #tpu.memory_space<vmem>>, vector<16xi32>,
      }
      %scan3A_159 = arith.constant 64 : i32
      %dma_start3A_160 = arith.constant 0 : i32
      %dma_start3A_161 = arith.constant 0 : i32
      %dma_start3A_162 = tpu.memref_slice %arg9[%dma_start3A_161] : memref<532480xf32, #tpu.memory_space<vmem_shared>> -> memref<532480xf32, #tpu.memory_space<vmem_shared>>
      %dma_start3A_163 = tpu.memref_slice %arg11[%dma_start3A_160] : memref<2x!tpu.dma_semaphore, #tpu.memory_space<semaphore_mem>> -> memref<1x!tpu.dma_semaphore, #tpu.memory_space<semaphore_mem>>
      %dma_start3A_164 = tpu.memref_squeeze %dma_start3A_163 : memref<1x!tpu.dma_semaphore, #tpu.memory_space<semaphore_mem>> -> memref<!tpu.dma_semaphore, #tpu.memory_space<semaphore_mem>>
      tpu.enqueue_indirect_dma source(%arg8 : memref<8192xf32, #tpu.memory_space<vmem>>) target(%dma_start3A_162 : memref<532480xf32, #tpu.memory_space<vmem_shared>>) offsets(%arg6 : memref<8192xi32, #tpu.memory_space<vmem>>) semaphore(%dma_start3A_164 : memref<!tpu.dma_semaphore, #tpu.memory_space<semaphore_mem>>)
      %add3A_165 = arith.constant 1 : i32
      %add3A_166 = arith.addi %add3A_134, %add3A_165 : i32
      %lt3A = arith.constant 8 : i32
      %lt3A_167 = arith.cmpi slt, %add3A_166, %lt3A : i32
      %convert_element_type3A_168 = arith.extui %lt3A_167 : i1 to i32
      %cond3A_169 = arith.constant 0 : i32
      %cond3A_170 = arith.cmpi ne, %convert_element_type3A_168, %cond3A_169 : i32
      scf.if %cond3A_170 {
        %add3A_211 = arith.constant 2 : i32
        %add3A_212 = arith.addi %add3A_138, %add3A_211 : i32
        %mul3A_213 = arith.constant 131072 : i32
        %mul3A_214 = arith.muli %arg1, %mul3A_213 : i32
        %mul3A_215 = arith.constant 8192 : i32
        %mul3A_216 = arith.muli %add3A_212, %mul3A_215 : i32
        %add3A_217 = arith.addi %mul3A_214, %mul3A_216 : i32
        %dma_start3A_218 = arith.constant 0 : i32
        %dma_start3A_219 = arith.constant 0 : i32
        %dma_start3A_220 = arith.constant 0 : i32
        %dma_start3A_221 = tpu.memref_slice %arg5[%dma_start3A_218, %dma_start3A_220] : memref<2x8192xi32, #tpu.memory_space<vmem>> -> memref<1x8192xi32, #tpu.memory_space<vmem>>
        %dma_start3A_222 = tpu.memref_squeeze %dma_start3A_221 : memref<1x8192xi32, #tpu.memory_space<vmem>> -> memref<8192xi32, #tpu.memory_space<vmem>>
        %dma_start3A_223 = tpu.memref_slice %arg2[%add3A_217] : memref<2097152xi32, #tpu.memory_space<hbm>> -> memref<8192xi32, #tpu.memory_space<hbm>>
        %dma_start3A_224 = tpu.memref_slice %arg10[%dma_start3A_219] : memref<2x!tpu.dma_semaphore, #tpu.memory_space<semaphore_mem>> -> memref<1x!tpu.dma_semaphore, #tpu.memory_space<semaphore_mem>>
        %dma_start3A_225 = tpu.memref_squeeze %dma_start3A_224 : memref<1x!tpu.dma_semaphore, #tpu.memory_space<semaphore_mem>> -> memref<!tpu.dma_semaphore, #tpu.memory_space<semaphore_mem>>
        %dma_start3A_226 = arith.constant 0 : i32
        %dma_start3A_227 = tpu.memref_slice %arg5[%dma_start3A_218, %dma_start3A_226] : memref<2x8192xi32, #tpu.memory_space<vmem>> -> memref<1x8192xi32, #tpu.memory_space<vmem>>
        %dma_start3A_228 = tpu.memref_squeeze %dma_start3A_227 : memref<1x8192xi32, #tpu.memory_space<vmem>> -> memref<8192xi32, #tpu.memory_space<vmem>>
        %dma_start3A_229 = tpu.memref_slice %arg2[%add3A_217] : memref<2097152xi32, #tpu.memory_space<hbm>> -> memref<8192xi32, #tpu.memory_space<hbm>>
        tpu.enqueue_dma source(%dma_start3A_229 : memref<8192xi32, #tpu.memory_space<hbm>>) target(%dma_start3A_228 : memref<8192xi32, #tpu.memory_space<vmem>>) target_semaphore(%dma_start3A_225 : memref<!tpu.dma_semaphore, #tpu.memory_space<semaphore_mem>>)
      } else {
      }
      %mul3A_171 = arith.constant 2 : i32
      %mul3A_172 = arith.muli %mul3A_171, %add3A_134 : i32
      %add3A_173 = arith.constant 1 : i32
      %add3A_174 = arith.addi %mul3A_172, %add3A_173 : i32
      %dma_wait3A_175 = arith.constant 1 : i32
      %dma_wait3A_176 = arith.constant 1 : i32
      %dma_wait3A_177 = arith.constant 0 : i32
      %dma_wait3A_178 = tpu.memref_slice %arg5[%dma_wait3A_175, %dma_wait3A_177] : memref<2x8192xi32, #tpu.memory_space<vmem>> -> memref<1x8192xi32, #tpu.memory_space<vmem>>
      %dma_wait3A_179 = tpu.memref_squeeze %dma_wait3A_178 : memref<1x8192xi32, #tpu.memory_space<vmem>> -> memref<8192xi32, #tpu.memory_space<vmem>>
      %dma_wait3A_180 = arith.constant 0 : i32
      %dma_wait3A_181 = tpu.memref_slice %arg2[%dma_wait3A_180] : memref<2097152xi32, #tpu.memory_space<hbm>> -> memref<8192xi32, #tpu.memory_space<hbm>>
      %dma_wait3A_182 = tpu.memref_slice %arg10[%dma_wait3A_176] : memref<2x!tpu.dma_semaphore, #tpu.memory_space<semaphore_mem>> -> memref<1x!tpu.dma_semaphore, #tpu.memory_space<semaphore_mem>>
      %dma_wait3A_183 = tpu.memref_squeeze %dma_wait3A_182 : memref<1x!tpu.dma_semaphore, #tpu.memory_space<semaphore_mem>> -> memref<!tpu.dma_semaphore, #tpu.memory_space<semaphore_mem>>
      %dma_wait3A_184 = arith.constant 0 : i32
      %dma_wait3A_185 = tpu.memref_slice %arg5[%dma_wait3A_175, %dma_wait3A_184] : memref<2x8192xi32, #tpu.memory_space<vmem>> -> memref<1x8192xi32, #tpu.memory_space<vmem>>
      %dma_wait3A_186 = tpu.memref_squeeze %dma_wait3A_185 : memref<1x8192xi32, #tpu.memory_space<vmem>> -> memref<8192xi32, #tpu.memory_space<vmem>>
      %dma_wait3A_187 = arith.constant 0 : i32
      %dma_wait3A_188 = tpu.memref_slice %arg2[%dma_wait3A_187] : memref<2097152xi32, #tpu.memory_space<hbm>> -> memref<8192xi32, #tpu.memory_space<hbm>>
      tpu.wait_dma2 semaphore(%dma_wait3A_183 : memref<!tpu.dma_semaphore, #tpu.memory_space<semaphore_mem>>) src(%dma_wait3A_188 : memref<8192xi32, #tpu.memory_space<hbm>>) dst(%dma_wait3A_186 : memref<8192xi32, #tpu.memory_space<vmem>>)
      %gt3A_189 = arith.constant 0 : i32
      %gt3A_190 = arith.cmpi sgt, %add3A_134, %gt3A_189 : i32
      %convert_element_type3A_191 = arith.extui %gt3A_190 : i1 to i32
      %cond3A_192 = arith.constant 0 : i32
      %cond3A_193 = arith.cmpi ne, %convert_element_type3A_191, %cond3A_192 : i32
      scf.if %cond3A_193 {
        %dma_wait3A_211 = arith.constant 1 : i32
        %dma_wait3A_212 = arith.constant 0 : i32
        %dma_wait3A_213 = tpu.memref_slice %arg9[%dma_wait3A_212] : memref<532480xf32, #tpu.memory_space<vmem_shared>> -> memref<532480xf32, #tpu.memory_space<vmem_shared>>
        %dma_wait3A_214 = tpu.memref_slice %arg11[%dma_wait3A_211] : memref<2x!tpu.dma_semaphore, #tpu.memory_space<semaphore_mem>> -> memref<1x!tpu.dma_semaphore, #tpu.memory_space<semaphore_mem>>
        %dma_wait3A_215 = tpu.memref_squeeze %dma_wait3A_214 : memref<1x!tpu.dma_semaphore, #tpu.memory_space<semaphore_mem>> -> memref<!tpu.dma_semaphore, #tpu.memory_space<semaphore_mem>>
        tpu.wait_indirect_dma semaphore(%dma_wait3A_215 : memref<!tpu.dma_semaphore, #tpu.memory_space<semaphore_mem>>) src(%arg8 : memref<8192xf32, #tpu.memory_space<vmem>>) dst(%dma_wait3A_213 : memref<532480xf32, #tpu.memory_space<vmem_shared>>)
      } else {
      }
      %scan3A_194 = arith.constant 0 : i32
      %scan3A_195 = arith.constant 64 : i32
      %scan3A_196 = arith.addi %scan3A_194, %scan3A_195 : i32
      %scan3A_197 = arith.constant 1 : i32
      scf.for %scan3A_211 = %scan3A_194 to %scan3A_196 step %scan3A_197  : i32 {
        %mul3A_212 = arith.constant 1 : i32
        %mul3A_213 = arith.muli %scan3A_211, %mul3A_212 : i32
        %add3A_214 = arith.constant 0 : i32
        %add3A_215 = arith.addi %add3A_214, %mul3A_213 : i32
        %mul3A_216 = arith.constant 128 : i32
        %mul3A_217 = arith.muli %add3A_215, %mul3A_216 : i32
        %add3A_218 = arith.constant 0 : i32
        %add3A_219 = arith.addi %mul3A_217, %add3A_218 : i32
        %get3A = arith.constant 1 : i32
        %get3A_220 = arith.index_cast %get3A : i32 to index
        %get3A_221 = arith.index_cast %add3A_219 : i32 to index
        %get3A_222 = tpu.vector_load %arg5[%get3A_220, %get3A_221] {strides = array<i32>} : memref<2x8192xi32, #tpu.memory_space<vmem>>, vector<1x16xi32>,
        %get3A_223 = vector.shape_cast %get3A_222 : vector<1x16xi32> to vector<16xi32>
        %sub3A = vector.broadcast %mul3A_7 : i32 to vector<16xi32>
        %sub3A_224 = arith.subi %get3A_223, %sub3A : vector<16xi32>
        %ge3A = arith.constant 0 : i32
        %ge3A_225 = vector.broadcast %ge3A : i32 to vector<16xi32>
        %ge3A_226 = arith.cmpi sge, %sub3A_224, %ge3A_225 : vector<16xi32>
        %lt3A_227 = arith.constant 524288 : i32
        %lt3A_228 = vector.broadcast %lt3A_227 : i32 to vector<16xi32>
        %lt3A_229 = arith.cmpi slt, %sub3A_224, %lt3A_228 : vector<16xi32>
        %and3A = arith.andi %ge3A_226, %lt3A_229 : vector<16xi1>
        %and3A_230 = arith.constant 8191 : i32
        %and3A_231 = arith.andi %add3A_219, %and3A_230 : i32
        %add3A_232 = arith.constant 524288 : i32
        %add3A_233 = arith.addi %add3A_232, %and3A_231 : i32
        %broadcast_in_dim3A = vector.broadcast %add3A_233 : i32 to vector<16xi32>
        %select_n3A = arith.select %and3A, %sub3A_224, %broadcast_in_dim3A : vector<16xi1>, vector<16xi32>
        %swap3A = arith.index_cast %add3A_219 : i32 to index
        %swap3A_234 = tpu.vector_load %arg7[%swap3A] {strides = array<i32>} : memref<8192xi32, #tpu.memory_space<vmem>>, vector<16xi32>,
        %swap3A_235 = vector.shape_cast %swap3A_234 : vector<16xi32> to vector<16xi32>
        %swap3A_236 = vector.shape_cast %select_n3A : vector<16xi32> to vector<16xi32>
        tpu.vector_store %arg7[%swap3A], %swap3A_236 {strides = array<i32>} : memref<8192xi32, #tpu.memory_space<vmem>>, vector<16xi32>,
        %mul3A_237 = arith.constant 128 : i32
        %mul3A_238 = arith.muli %add3A_215, %mul3A_237 : i32
        %add3A_239 = arith.constant 16 : i32
        %add3A_240 = arith.addi %mul3A_238, %add3A_239 : i32
        %get3A_241 = arith.constant 1 : i32
        %get3A_242 = arith.index_cast %get3A_241 : i32 to index
        %get3A_243 = arith.index_cast %add3A_240 : i32 to index
        %get3A_244 = tpu.vector_load %arg5[%get3A_242, %get3A_243] {strides = array<i32>} : memref<2x8192xi32, #tpu.memory_space<vmem>>, vector<1x16xi32>,
        %get3A_245 = vector.shape_cast %get3A_244 : vector<1x16xi32> to vector<16xi32>
        %sub3A_246 = vector.broadcast %mul3A_7 : i32 to vector<16xi32>
        %sub3A_247 = arith.subi %get3A_245, %sub3A_246 : vector<16xi32>
        %ge3A_248 = arith.constant 0 : i32
        %ge3A_249 = vector.broadcast %ge3A_248 : i32 to vector<16xi32>
        %ge3A_250 = arith.cmpi sge, %sub3A_247, %ge3A_249 : vector<16xi32>
        %lt3A_251 = arith.constant 524288 : i32
        %lt3A_252 = vector.broadcast %lt3A_251 : i32 to vector<16xi32>
        %lt3A_253 = arith.cmpi slt, %sub3A_247, %lt3A_252 : vector<16xi32>
        %and3A_254 = arith.andi %ge3A_250, %lt3A_253 : vector<16xi1>
        %and3A_255 = arith.constant 8191 : i32
        %and3A_256 = arith.andi %add3A_240, %and3A_255 : i32
        %add3A_257 = arith.constant 524288 : i32
        %add3A_258 = arith.addi %add3A_257, %and3A_256 : i32
        %broadcast_in_dim3A_259 = vector.broadcast %add3A_258 : i32 to vector<16xi32>
        %select_n3A_260 = arith.select %and3A_254, %sub3A_247, %broadcast_in_dim3A_259 : vector<16xi1>, vector<16xi32>
        %swap3A_261 = arith.index_cast %add3A_240 : i32 to index
        %swap3A_262 = tpu.vector_load %arg7[%swap3A_261] {strides = array<i32>} : memref<8192xi32, #tpu.memory_space<vmem>>, vector<16xi32>,
        %swap3A_263 = vector.shape_cast %swap3A_262 : vector<16xi32> to vector<16xi32>
        %swap3A_264 = vector.shape_cast %select_n3A_260 : vector<16xi32> to vector<16xi32>
        tpu.vector_store %arg7[%swap3A_261], %swap3A_264 {strides = array<i32>} : memref<8192xi32, #tpu.memory_space<vmem>>, vector<16xi32>,
        %mul3A_265 = arith.constant 128 : i32
        %mul3A_266 = arith.muli %add3A_215, %mul3A_265 : i32
        %add3A_267 = arith.constant 32 : i32
        %add3A_268 = arith.addi %mul3A_266, %add3A_267 : i32
        %get3A_269 = arith.constant 1 : i32
        %get3A_270 = arith.index_cast %get3A_269 : i32 to index
        %get3A_271 = arith.index_cast %add3A_268 : i32 to index
        %get3A_272 = tpu.vector_load %arg5[%get3A_270, %get3A_271] {strides = array<i32>} : memref<2x8192xi32, #tpu.memory_space<vmem>>, vector<1x16xi32>,
        %get3A_273 = vector.shape_cast %get3A_272 : vector<1x16xi32> to vector<16xi32>
        %sub3A_274 = vector.broadcast %mul3A_7 : i32 to vector<16xi32>
        %sub3A_275 = arith.subi %get3A_273, %sub3A_274 : vector<16xi32>
        %ge3A_276 = arith.constant 0 : i32
        %ge3A_277 = vector.broadcast %ge3A_276 : i32 to vector<16xi32>
        %ge3A_278 = arith.cmpi sge, %sub3A_275, %ge3A_277 : vector<16xi32>
        %lt3A_279 = arith.constant 524288 : i32
        %lt3A_280 = vector.broadcast %lt3A_279 : i32 to vector<16xi32>
        %lt3A_281 = arith.cmpi slt, %sub3A_275, %lt3A_280 : vector<16xi32>
        %and3A_282 = arith.andi %ge3A_278, %lt3A_281 : vector<16xi1>
        %and3A_283 = arith.constant 8191 : i32
        %and3A_284 = arith.andi %add3A_268, %and3A_283 : i32
        %add3A_285 = arith.constant 524288 : i32
        %add3A_286 = arith.addi %add3A_285, %and3A_284 : i32
        %broadcast_in_dim3A_287 = vector.broadcast %add3A_286 : i32 to vector<16xi32>
        %select_n3A_288 = arith.select %and3A_282, %sub3A_275, %broadcast_in_dim3A_287 : vector<16xi1>, vector<16xi32>
        %swap3A_289 = arith.index_cast %add3A_268 : i32 to index
        %swap3A_290 = tpu.vector_load %arg7[%swap3A_289] {strides = array<i32>} : memref<8192xi32, #tpu.memory_space<vmem>>, vector<16xi32>,
        %swap3A_291 = vector.shape_cast %swap3A_290 : vector<16xi32> to vector<16xi32>
        %swap3A_292 = vector.shape_cast %select_n3A_288 : vector<16xi32> to vector<16xi32>
        tpu.vector_store %arg7[%swap3A_289], %swap3A_292 {strides = array<i32>} : memref<8192xi32, #tpu.memory_space<vmem>>, vector<16xi32>,
        %mul3A_293 = arith.constant 128 : i32
        %mul3A_294 = arith.muli %add3A_215, %mul3A_293 : i32
        %add3A_295 = arith.constant 48 : i32
        %add3A_296 = arith.addi %mul3A_294, %add3A_295 : i32
        %get3A_297 = arith.constant 1 : i32
        %get3A_298 = arith.index_cast %get3A_297 : i32 to index
        %get3A_299 = arith.index_cast %add3A_296 : i32 to index
        %get3A_300 = tpu.vector_load %arg5[%get3A_298, %get3A_299] {strides = array<i32>} : memref<2x8192xi32, #tpu.memory_space<vmem>>, vector<1x16xi32>,
        %get3A_301 = vector.shape_cast %get3A_300 : vector<1x16xi32> to vector<16xi32>
        %sub3A_302 = vector.broadcast %mul3A_7 : i32 to vector<16xi32>
        %sub3A_303 = arith.subi %get3A_301, %sub3A_302 : vector<16xi32>
        %ge3A_304 = arith.constant 0 : i32
        %ge3A_305 = vector.broadcast %ge3A_304 : i32 to vector<16xi32>
        %ge3A_306 = arith.cmpi sge, %sub3A_303, %ge3A_305 : vector<16xi32>
        %lt3A_307 = arith.constant 524288 : i32
        %lt3A_308 = vector.broadcast %lt3A_307 : i32 to vector<16xi32>
        %lt3A_309 = arith.cmpi slt, %sub3A_303, %lt3A_308 : vector<16xi32>
        %and3A_310 = arith.andi %ge3A_306, %lt3A_309 : vector<16xi1>
        %and3A_311 = arith.constant 8191 : i32
        %and3A_312 = arith.andi %add3A_296, %and3A_311 : i32
        %add3A_313 = arith.constant 524288 : i32
        %add3A_314 = arith.addi %add3A_313, %and3A_312 : i32
        %broadcast_in_dim3A_315 = vector.broadcast %add3A_314 : i32 to vector<16xi32>
        %select_n3A_316 = arith.select %and3A_310, %sub3A_303, %broadcast_in_dim3A_315 : vector<16xi1>, vector<16xi32>
        %swap3A_317 = arith.index_cast %add3A_296 : i32 to index
        %swap3A_318 = tpu.vector_load %arg7[%swap3A_317] {strides = array<i32>} : memref<8192xi32, #tpu.memory_space<vmem>>, vector<16xi32>,
        %swap3A_319 = vector.shape_cast %swap3A_318 : vector<16xi32> to vector<16xi32>
        %swap3A_320 = vector.shape_cast %select_n3A_316 : vector<16xi32> to vector<16xi32>
        tpu.vector_store %arg7[%swap3A_317], %swap3A_320 {strides = array<i32>} : memref<8192xi32, #tpu.memory_space<vmem>>, vector<16xi32>,
        %mul3A_321 = arith.constant 128 : i32
        %mul3A_322 = arith.muli %add3A_215, %mul3A_321 : i32
        %add3A_323 = arith.constant 64 : i32
        %add3A_324 = arith.addi %mul3A_322, %add3A_323 : i32
        %get3A_325 = arith.constant 1 : i32
        %get3A_326 = arith.index_cast %get3A_325 : i32 to index
        %get3A_327 = arith.index_cast %add3A_324 : i32 to index
        %get3A_328 = tpu.vector_load %arg5[%get3A_326, %get3A_327] {strides = array<i32>} : memref<2x8192xi32, #tpu.memory_space<vmem>>, vector<1x16xi32>,
        %get3A_329 = vector.shape_cast %get3A_328 : vector<1x16xi32> to vector<16xi32>
        %sub3A_330 = vector.broadcast %mul3A_7 : i32 to vector<16xi32>
        %sub3A_331 = arith.subi %get3A_329, %sub3A_330 : vector<16xi32>
        %ge3A_332 = arith.constant 0 : i32
        %ge3A_333 = vector.broadcast %ge3A_332 : i32 to vector<16xi32>
        %ge3A_334 = arith.cmpi sge, %sub3A_331, %ge3A_333 : vector<16xi32>
        %lt3A_335 = arith.constant 524288 : i32
        %lt3A_336 = vector.broadcast %lt3A_335 : i32 to vector<16xi32>
        %lt3A_337 = arith.cmpi slt, %sub3A_331, %lt3A_336 : vector<16xi32>
        %and3A_338 = arith.andi %ge3A_334, %lt3A_337 : vector<16xi1>
        %and3A_339 = arith.constant 8191 : i32
        %and3A_340 = arith.andi %add3A_324, %and3A_339 : i32
        %add3A_341 = arith.constant 524288 : i32
        %add3A_342 = arith.addi %add3A_341, %and3A_340 : i32
        %broadcast_in_dim3A_343 = vector.broadcast %add3A_342 : i32 to vector<16xi32>
        %select_n3A_344 = arith.select %and3A_338, %sub3A_331, %broadcast_in_dim3A_343 : vector<16xi1>, vector<16xi32>
        %swap3A_345 = arith.index_cast %add3A_324 : i32 to index
        %swap3A_346 = tpu.vector_load %arg7[%swap3A_345] {strides = array<i32>} : memref<8192xi32, #tpu.memory_space<vmem>>, vector<16xi32>,
        %swap3A_347 = vector.shape_cast %swap3A_346 : vector<16xi32> to vector<16xi32>
        %swap3A_348 = vector.shape_cast %select_n3A_344 : vector<16xi32> to vector<16xi32>
        tpu.vector_store %arg7[%swap3A_345], %swap3A_348 {strides = array<i32>} : memref<8192xi32, #tpu.memory_space<vmem>>, vector<16xi32>,
        %mul3A_349 = arith.constant 128 : i32
        %mul3A_350 = arith.muli %add3A_215, %mul3A_349 : i32
        %add3A_351 = arith.constant 80 : i32
        %add3A_352 = arith.addi %mul3A_350, %add3A_351 : i32
        %get3A_353 = arith.constant 1 : i32
        %get3A_354 = arith.index_cast %get3A_353 : i32 to index
        %get3A_355 = arith.index_cast %add3A_352 : i32 to index
        %get3A_356 = tpu.vector_load %arg5[%get3A_354, %get3A_355] {strides = array<i32>} : memref<2x8192xi32, #tpu.memory_space<vmem>>, vector<1x16xi32>,
        %get3A_357 = vector.shape_cast %get3A_356 : vector<1x16xi32> to vector<16xi32>
        %sub3A_358 = vector.broadcast %mul3A_7 : i32 to vector<16xi32>
        %sub3A_359 = arith.subi %get3A_357, %sub3A_358 : vector<16xi32>
        %ge3A_360 = arith.constant 0 : i32
        %ge3A_361 = vector.broadcast %ge3A_360 : i32 to vector<16xi32>
        %ge3A_362 = arith.cmpi sge, %sub3A_359, %ge3A_361 : vector<16xi32>
        %lt3A_363 = arith.constant 524288 : i32
        %lt3A_364 = vector.broadcast %lt3A_363 : i32 to vector<16xi32>
        %lt3A_365 = arith.cmpi slt, %sub3A_359, %lt3A_364 : vector<16xi32>
        %and3A_366 = arith.andi %ge3A_362, %lt3A_365 : vector<16xi1>
        %and3A_367 = arith.constant 8191 : i32
        %and3A_368 = arith.andi %add3A_352, %and3A_367 : i32
        %add3A_369 = arith.constant 524288 : i32
        %add3A_370 = arith.addi %add3A_369, %and3A_368 : i32
        %broadcast_in_dim3A_371 = vector.broadcast %add3A_370 : i32 to vector<16xi32>
        %select_n3A_372 = arith.select %and3A_366, %sub3A_359, %broadcast_in_dim3A_371 : vector<16xi1>, vector<16xi32>
        %swap3A_373 = arith.index_cast %add3A_352 : i32 to index
        %swap3A_374 = tpu.vector_load %arg7[%swap3A_373] {strides = array<i32>} : memref<8192xi32, #tpu.memory_space<vmem>>, vector<16xi32>,
        %swap3A_375 = vector.shape_cast %swap3A_374 : vector<16xi32> to vector<16xi32>
        %swap3A_376 = vector.shape_cast %select_n3A_372 : vector<16xi32> to vector<16xi32>
        tpu.vector_store %arg7[%swap3A_373], %swap3A_376 {strides = array<i32>} : memref<8192xi32, #tpu.memory_space<vmem>>, vector<16xi32>,
        %mul3A_377 = arith.constant 128 : i32
        %mul3A_378 = arith.muli %add3A_215, %mul3A_377 : i32
        %add3A_379 = arith.constant 96 : i32
        %add3A_380 = arith.addi %mul3A_378, %add3A_379 : i32
        %get3A_381 = arith.constant 1 : i32
        %get3A_382 = arith.index_cast %get3A_381 : i32 to index
        %get3A_383 = arith.index_cast %add3A_380 : i32 to index
        %get3A_384 = tpu.vector_load %arg5[%get3A_382, %get3A_383] {strides = array<i32>} : memref<2x8192xi32, #tpu.memory_space<vmem>>, vector<1x16xi32>,
        %get3A_385 = vector.shape_cast %get3A_384 : vector<1x16xi32> to vector<16xi32>
        %sub3A_386 = vector.broadcast %mul3A_7 : i32 to vector<16xi32>
        %sub3A_387 = arith.subi %get3A_385, %sub3A_386 : vector<16xi32>
        %ge3A_388 = arith.constant 0 : i32
        %ge3A_389 = vector.broadcast %ge3A_388 : i32 to vector<16xi32>
        %ge3A_390 = arith.cmpi sge, %sub3A_387, %ge3A_389 : vector<16xi32>
        %lt3A_391 = arith.constant 524288 : i32
        %lt3A_392 = vector.broadcast %lt3A_391 : i32 to vector<16xi32>
        %lt3A_393 = arith.cmpi slt, %sub3A_387, %lt3A_392 : vector<16xi32>
        %and3A_394 = arith.andi %ge3A_390, %lt3A_393 : vector<16xi1>
        %and3A_395 = arith.constant 8191 : i32
        %and3A_396 = arith.andi %add3A_380, %and3A_395 : i32
        %add3A_397 = arith.constant 524288 : i32
        %add3A_398 = arith.addi %add3A_397, %and3A_396 : i32
        %broadcast_in_dim3A_399 = vector.broadcast %add3A_398 : i32 to vector<16xi32>
        %select_n3A_400 = arith.select %and3A_394, %sub3A_387, %broadcast_in_dim3A_399 : vector<16xi1>, vector<16xi32>
        %swap3A_401 = arith.index_cast %add3A_380 : i32 to index
        %swap3A_402 = tpu.vector_load %arg7[%swap3A_401] {strides = array<i32>} : memref<8192xi32, #tpu.memory_space<vmem>>, vector<16xi32>,
        %swap3A_403 = vector.shape_cast %swap3A_402 : vector<16xi32> to vector<16xi32>
        %swap3A_404 = vector.shape_cast %select_n3A_400 : vector<16xi32> to vector<16xi32>
        tpu.vector_store %arg7[%swap3A_401], %swap3A_404 {strides = array<i32>} : memref<8192xi32, #tpu.memory_space<vmem>>, vector<16xi32>,
        %mul3A_405 = arith.constant 128 : i32
        %mul3A_406 = arith.muli %add3A_215, %mul3A_405 : i32
        %add3A_407 = arith.constant 112 : i32
        %add3A_408 = arith.addi %mul3A_406, %add3A_407 : i32
        %get3A_409 = arith.constant 1 : i32
        %get3A_410 = arith.index_cast %get3A_409 : i32 to index
        %get3A_411 = arith.index_cast %add3A_408 : i32 to index
        %get3A_412 = tpu.vector_load %arg5[%get3A_410, %get3A_411] {strides = array<i32>} : memref<2x8192xi32, #tpu.memory_space<vmem>>, vector<1x16xi32>,
        %get3A_413 = vector.shape_cast %get3A_412 : vector<1x16xi32> to vector<16xi32>
        %sub3A_414 = vector.broadcast %mul3A_7 : i32 to vector<16xi32>
        %sub3A_415 = arith.subi %get3A_413, %sub3A_414 : vector<16xi32>
        %ge3A_416 = arith.constant 0 : i32
        %ge3A_417 = vector.broadcast %ge3A_416 : i32 to vector<16xi32>
        %ge3A_418 = arith.cmpi sge, %sub3A_415, %ge3A_417 : vector<16xi32>
        %lt3A_419 = arith.constant 524288 : i32
        %lt3A_420 = vector.broadcast %lt3A_419 : i32 to vector<16xi32>
        %lt3A_421 = arith.cmpi slt, %sub3A_415, %lt3A_420 : vector<16xi32>
        %and3A_422 = arith.andi %ge3A_418, %lt3A_421 : vector<16xi1>
        %and3A_423 = arith.constant 8191 : i32
        %and3A_424 = arith.andi %add3A_408, %and3A_423 : i32
        %add3A_425 = arith.constant 524288 : i32
        %add3A_426 = arith.addi %add3A_425, %and3A_424 : i32
        %broadcast_in_dim3A_427 = vector.broadcast %add3A_426 : i32 to vector<16xi32>
        %select_n3A_428 = arith.select %and3A_422, %sub3A_415, %broadcast_in_dim3A_427 : vector<16xi1>, vector<16xi32>
        %swap3A_429 = arith.index_cast %add3A_408 : i32 to index
        %swap3A_430 = tpu.vector_load %arg7[%swap3A_429] {strides = array<i32>} : memref<8192xi32, #tpu.memory_space<vmem>>, vector<16xi32>,
        %swap3A_431 = vector.shape_cast %swap3A_430 : vector<16xi32> to vector<16xi32>
        %swap3A_432 = vector.shape_cast %select_n3A_428 : vector<16xi32> to vector<16xi32>
        tpu.vector_store %arg7[%swap3A_429], %swap3A_432 {strides = array<i32>} : memref<8192xi32, #tpu.memory_space<vmem>>, vector<16xi32>,
      }
      %scan3A_198 = arith.constant 64 : i32
      %dma_start3A_199 = arith.constant 1 : i32
      %dma_start3A_200 = arith.constant 0 : i32
      %dma_start3A_201 = tpu.memref_slice %arg9[%dma_start3A_200] : memref<532480xf32, #tpu.memory_space<vmem_shared>> -> memref<532480xf32, #tpu.memory_space<vmem_shared>>
      %dma_start3A_202 = tpu.memref_slice %arg11[%dma_start3A_199] : memref<2x!tpu.dma_semaphore, #tpu.memory_space<semaphore_mem>> -> memref<1x!tpu.dma_semaphore, #tpu.memory_space<semaphore_mem>>
      %dma_start3A_203 = tpu.memref_squeeze %dma_start3A_202 : memref<1x!tpu.dma_semaphore, #tpu.memory_space<semaphore_mem>> -> memref<!tpu.dma_semaphore, #tpu.memory_space<semaphore_mem>>
      tpu.enqueue_indirect_dma source(%arg8 : memref<8192xf32, #tpu.memory_space<vmem>>) target(%dma_start3A_201 : memref<532480xf32, #tpu.memory_space<vmem_shared>>) offsets(%arg7 : memref<8192xi32, #tpu.memory_space<vmem>>) semaphore(%dma_start3A_203 : memref<!tpu.dma_semaphore, #tpu.memory_space<semaphore_mem>>)
      %add3A_204 = arith.constant 1 : i32
      %add3A_205 = arith.addi %add3A_134, %add3A_204 : i32
      %lt3A_206 = arith.constant 8 : i32
      %lt3A_207 = arith.cmpi slt, %add3A_205, %lt3A_206 : i32
      %convert_element_type3A_208 = arith.extui %lt3A_207 : i1 to i32
      %cond3A_209 = arith.constant 0 : i32
      %cond3A_210 = arith.cmpi ne, %convert_element_type3A_208, %cond3A_209 : i32
      scf.if %cond3A_210 {
        %add3A_211 = arith.constant 2 : i32
        %add3A_212 = arith.addi %add3A_174, %add3A_211 : i32
        %mul3A_213 = arith.constant 131072 : i32
        %mul3A_214 = arith.muli %arg1, %mul3A_213 : i32
        %mul3A_215 = arith.constant 8192 : i32
        %mul3A_216 = arith.muli %add3A_212, %mul3A_215 : i32
        %add3A_217 = arith.addi %mul3A_214, %mul3A_216 : i32
        %dma_start3A_218 = arith.constant 1 : i32
        %dma_start3A_219 = arith.constant 1 : i32
        %dma_start3A_220 = arith.constant 0 : i32
        %dma_start3A_221 = tpu.memref_slice %arg5[%dma_start3A_218, %dma_start3A_220] : memref<2x8192xi32, #tpu.memory_space<vmem>> -> memref<1x8192xi32, #tpu.memory_space<vmem>>
        %dma_start3A_222 = tpu.memref_squeeze %dma_start3A_221 : memref<1x8192xi32, #tpu.memory_space<vmem>> -> memref<8192xi32, #tpu.memory_space<vmem>>
        %dma_start3A_223 = tpu.memref_slice %arg2[%add3A_217] : memref<2097152xi32, #tpu.memory_space<hbm>> -> memref<8192xi32, #tpu.memory_space<hbm>>
        %dma_start3A_224 = tpu.memref_slice %arg10[%dma_start3A_219] : memref<2x!tpu.dma_semaphore, #tpu.memory_space<semaphore_mem>> -> memref<1x!tpu.dma_semaphore, #tpu.memory_space<semaphore_mem>>
        %dma_start3A_225 = tpu.memref_squeeze %dma_start3A_224 : memref<1x!tpu.dma_semaphore, #tpu.memory_space<semaphore_mem>> -> memref<!tpu.dma_semaphore, #tpu.memory_space<semaphore_mem>>
        %dma_start3A_226 = arith.constant 0 : i32
        %dma_start3A_227 = tpu.memref_slice %arg5[%dma_start3A_218, %dma_start3A_226] : memref<2x8192xi32, #tpu.memory_space<vmem>> -> memref<1x8192xi32, #tpu.memory_space<vmem>>
        %dma_start3A_228 = tpu.memref_squeeze %dma_start3A_227 : memref<1x8192xi32, #tpu.memory_space<vmem>> -> memref<8192xi32, #tpu.memory_space<vmem>>
        %dma_start3A_229 = tpu.memref_slice %arg2[%add3A_217] : memref<2097152xi32, #tpu.memory_space<hbm>> -> memref<8192xi32, #tpu.memory_space<hbm>>
        tpu.enqueue_dma source(%dma_start3A_229 : memref<8192xi32, #tpu.memory_space<hbm>>) target(%dma_start3A_228 : memref<8192xi32, #tpu.memory_space<vmem>>) target_semaphore(%dma_start3A_225 : memref<!tpu.dma_semaphore, #tpu.memory_space<semaphore_mem>>)
      } else {
      }
    }
    %scan3A_48 = arith.constant 8 : i32
    %dma_wait3A = arith.constant 0 : i32
    %dma_wait3A_49 = arith.constant 0 : i32
    %dma_wait3A_50 = tpu.memref_slice %arg9[%dma_wait3A_49] : memref<532480xf32, #tpu.memory_space<vmem_shared>> -> memref<532480xf32, #tpu.memory_space<vmem_shared>>
    %dma_wait3A_51 = tpu.memref_slice %arg11[%dma_wait3A] : memref<2x!tpu.dma_semaphore, #tpu.memory_space<semaphore_mem>> -> memref<1x!tpu.dma_semaphore, #tpu.memory_space<semaphore_mem>>
    %dma_wait3A_52 = tpu.memref_squeeze %dma_wait3A_51 : memref<1x!tpu.dma_semaphore, #tpu.memory_space<semaphore_mem>> -> memref<!tpu.dma_semaphore, #tpu.memory_space<semaphore_mem>>
    tpu.wait_indirect_dma semaphore(%dma_wait3A_52 : memref<!tpu.dma_semaphore, #tpu.memory_space<semaphore_mem>>) src(%arg8 : memref<8192xf32, #tpu.memory_space<vmem>>) dst(%dma_wait3A_50 : memref<532480xf32, #tpu.memory_space<vmem_shared>>)
    %dma_wait3A_53 = arith.constant 1 : i32
    %dma_wait3A_54 = arith.constant 0 : i32
    %dma_wait3A_55 = tpu.memref_slice %arg9[%dma_wait3A_54] : memref<532480xf32, #tpu.memory_space<vmem_shared>> -> memref<532480xf32, #tpu.memory_space<vmem_shared>>
    %dma_wait3A_56 = tpu.memref_slice %arg11[%dma_wait3A_53] : memref<2x!tpu.dma_semaphore, #tpu.memory_space<semaphore_mem>> -> memref<1x!tpu.dma_semaphore, #tpu.memory_space<semaphore_mem>>
    %dma_wait3A_57 = tpu.memref_squeeze %dma_wait3A_56 : memref<1x!tpu.dma_semaphore, #tpu.memory_space<semaphore_mem>> -> memref<!tpu.dma_semaphore, #tpu.memory_space<semaphore_mem>>
    tpu.wait_indirect_dma semaphore(%dma_wait3A_57 : memref<!tpu.dma_semaphore, #tpu.memory_space<semaphore_mem>>) src(%arg8 : memref<8192xf32, #tpu.memory_space<vmem>>) dst(%dma_wait3A_55 : memref<532480xf32, #tpu.memory_space<vmem_shared>>)
    %barrier3A_58 = arith.constant 0 : index
    tpu.barrier barrier_id(%barrier3A_58)
    %mul3A_59 = arith.constant 32768 : i32
    %mul3A_60 = arith.muli %arg1, %mul3A_59 : i32
    %mul3A_61 = arith.constant 32768 : i32
    %mul3A_62 = arith.muli %arg1, %mul3A_61 : i32
    %add3A_63 = arith.addi %mul3A_7, %mul3A_62 : i32
    "tpu.region"() ({
      %run_scoped3A = tpu.sem_alloc : memref<!tpu.dma_semaphore, #tpu.memory_space<semaphore_mem>>
      %dma_start3A_130 = tpu.memref_slice %arg4[%add3A_63] : memref<2097152xf32, #tpu.memory_space<hbm>> -> memref<32768xf32, #tpu.memory_space<hbm>>
      %dma_start3A_131 = tpu.memref_slice %arg9[%mul3A_60] : memref<532480xf32, #tpu.memory_space<vmem_shared>> -> memref<32768xf32, #tpu.memory_space<vmem_shared>>
      tpu.enqueue_dma source(%dma_start3A_131 : memref<32768xf32, #tpu.memory_space<vmem_shared>>) target(%dma_start3A_130 : memref<32768xf32, #tpu.memory_space<hbm>>) target_semaphore(%run_scoped3A : memref<!tpu.dma_semaphore, #tpu.memory_space<semaphore_mem>>)
      %dma_wait3A_132 = tpu.memref_slice %arg4[%add3A_63] : memref<2097152xf32, #tpu.memory_space<hbm>> -> memref<32768xf32, #tpu.memory_space<hbm>>
      %dma_wait3A_133 = tpu.memref_slice %arg9[%mul3A_60] : memref<532480xf32, #tpu.memory_space<vmem_shared>> -> memref<32768xf32, #tpu.memory_space<vmem_shared>>
      tpu.wait_dma2 semaphore(%run_scoped3A : memref<!tpu.dma_semaphore, #tpu.memory_space<semaphore_mem>>) src(%dma_wait3A_133 : memref<32768xf32, #tpu.memory_space<vmem_shared>>) dst(%dma_wait3A_132 : memref<32768xf32, #tpu.memory_space<hbm>>)
      tpu.yield
    }) : () -> ()
    %barrier3A_64 = arith.constant 0 : index
    tpu.barrier barrier_id(%barrier3A_64)
    %mul3A_65 = arith.constant 2 : i32
    %mul3A_66 = arith.muli %arg0, %mul3A_65 : i32
    %add3A_67 = arith.constant 1 : i32
    %add3A_68 = arith.addi %mul3A_66, %add3A_67 : i32
    %mul3A_69 = arith.constant 524288 : i32
    %mul3A_70 = arith.muli %add3A_68, %mul3A_69 : i32
    %mul3A_71 = arith.constant 32768 : i32
    %mul3A_72 = arith.muli %arg1, %mul3A_71 : i32
    %add3A_73 = arith.addi %mul3A_70, %mul3A_72 : i32
    %mul3A_74 = arith.constant 32768 : i32
    %mul3A_75 = arith.muli %arg1, %mul3A_74 : i32
    "tpu.region"() ({
      %run_scoped3A = tpu.sem_alloc : memref<!tpu.dma_semaphore, #tpu.memory_space<semaphore_mem>>
      %dma_start3A_130 = tpu.memref_slice %arg9[%mul3A_75] : memref<532480xf32, #tpu.memory_space<vmem_shared>> -> memref<32768xf32, #tpu.memory_space<vmem_shared>>
      %dma_start3A_131 = tpu.memref_slice %arg3[%add3A_73] : memref<2097152xf32, #tpu.memory_space<hbm>> -> memref<32768xf32, #tpu.memory_space<hbm>>
      tpu.enqueue_dma source(%dma_start3A_131 : memref<32768xf32, #tpu.memory_space<hbm>>) target(%dma_start3A_130 : memref<32768xf32, #tpu.memory_space<vmem_shared>>) target_semaphore(%run_scoped3A : memref<!tpu.dma_semaphore, #tpu.memory_space<semaphore_mem>>)
      %dma_wait3A_132 = tpu.memref_slice %arg9[%mul3A_75] : memref<532480xf32, #tpu.memory_space<vmem_shared>> -> memref<32768xf32, #tpu.memory_space<vmem_shared>>
      %dma_wait3A_133 = tpu.memref_slice %arg3[%add3A_73] : memref<2097152xf32, #tpu.memory_space<hbm>> -> memref<32768xf32, #tpu.memory_space<hbm>>
      tpu.wait_dma2 semaphore(%run_scoped3A : memref<!tpu.dma_semaphore, #tpu.memory_space<semaphore_mem>>) src(%dma_wait3A_133 : memref<32768xf32, #tpu.memory_space<hbm>>) dst(%dma_wait3A_132 : memref<32768xf32, #tpu.memory_space<vmem_shared>>)
      tpu.yield
    }) : () -> ()
    %barrier3A_76 = arith.constant 0 : index
    tpu.barrier barrier_id(%barrier3A_76)
    %mul3A_77 = arith.constant 131072 : i32
    %mul3A_78 = arith.muli %arg1, %mul3A_77 : i32
    %add3A_79 = arith.constant 0 : i32
    %add3A_80 = arith.addi %mul3A_78, %add3A_79 : i32
    %dma_start3A_81 = arith.constant 0 : i32
    %dma_start3A_82 = arith.constant 0 : i32
    %dma_start3A_83 = arith.constant 0 : i32
    %dma_start3A_84 = tpu.memref_slice %arg5[%dma_start3A_81, %dma_start3A_83] : memref<2x8192xi32, #tpu.memory_space<vmem>> -> memref<1x8192xi32, #tpu.memory_space<vmem>>
    %dma_start3A_85 = tpu.memref_squeeze %dma_start3A_84 : memref<1x8192xi32, #tpu.memory_space<vmem>> -> memref<8192xi32, #tpu.memory_space<vmem>>
    %dma_start3A_86 = tpu.memref_slice %arg2[%add3A_80] : memref<2097152xi32, #tpu.memory_space<hbm>> -> memref<8192xi32, #tpu.memory_space<hbm>>
    %dma_start3A_87 = tpu.memref_slice %arg10[%dma_start3A_82] : memref<2x!tpu.dma_semaphore, #tpu.memory_space<semaphore_mem>> -> memref<1x!tpu.dma_semaphore, #tpu.memory_space<semaphore_mem>>
    %dma_start3A_88 = tpu.memref_squeeze %dma_start3A_87 : memref<1x!tpu.dma_semaphore, #tpu.memory_space<semaphore_mem>> -> memref<!tpu.dma_semaphore, #tpu.memory_space<semaphore_mem>>
    %dma_start3A_89 = arith.constant 0 : i32
    %dma_start3A_90 = tpu.memref_slice %arg5[%dma_start3A_81, %dma_start3A_89] : memref<2x8192xi32, #tpu.memory_space<vmem>> -> memref<1x8192xi32, #tpu.memory_space<vmem>>
    %dma_start3A_91 = tpu.memref_squeeze %dma_start3A_90 : memref<1x8192xi32, #tpu.memory_space<vmem>> -> memref<8192xi32, #tpu.memory_space<vmem>>
    %dma_start3A_92 = tpu.memref_slice %arg2[%add3A_80] : memref<2097152xi32, #tpu.memory_space<hbm>> -> memref<8192xi32, #tpu.memory_space<hbm>>
    tpu.enqueue_dma source(%dma_start3A_92 : memref<8192xi32, #tpu.memory_space<hbm>>) target(%dma_start3A_91 : memref<8192xi32, #tpu.memory_space<vmem>>) target_semaphore(%dma_start3A_88 : memref<!tpu.dma_semaphore, #tpu.memory_space<semaphore_mem>>)
    %mul3A_93 = arith.constant 131072 : i32
    %mul3A_94 = arith.muli %arg1, %mul3A_93 : i32
    %add3A_95 = arith.constant 8192 : i32
    %add3A_96 = arith.addi %mul3A_94, %add3A_95 : i32
    %dma_start3A_97 = arith.constant 1 : i32
    %dma_start3A_98 = arith.constant 1 : i32
    %dma_start3A_99 = arith.constant 0 : i32
    %dma_start3A_100 = tpu.memref_slice %arg5[%dma_start3A_97, %dma_start3A_99] : memref<2x8192xi32, #tpu.memory_space<vmem>> -> memref<1x8192xi32, #tpu.memory_space<vmem>>
    %dma_start3A_101 = tpu.memref_squeeze %dma_start3A_100 : memref<1x8192xi32, #tpu.memory_space<vmem>> -> memref<8192xi32, #tpu.memory_space<vmem>>
    %dma_start3A_102 = tpu.memref_slice %arg2[%add3A_96] : memref<2097152xi32, #tpu.memory_space<hbm>> -> memref<8192xi32, #tpu.memory_space<hbm>>
    %dma_start3A_103 = tpu.memref_slice %arg10[%dma_start3A_98] : memref<2x!tpu.dma_semaphore, #tpu.memory_space<semaphore_mem>> -> memref<1x!tpu.dma_semaphore, #tpu.memory_space<semaphore_mem>>
    %dma_start3A_104 = tpu.memref_squeeze %dma_start3A_103 : memref<1x!tpu.dma_semaphore, #tpu.memory_space<semaphore_mem>> -> memref<!tpu.dma_semaphore, #tpu.memory_space<semaphore_mem>>
    %dma_start3A_105 = arith.constant 0 : i32
    %dma_start3A_106 = tpu.memref_slice %arg5[%dma_start3A_97, %dma_start3A_105] : memref<2x8192xi32, #tpu.memory_space<vmem>> -> memref<1x8192xi32, #tpu.memory_space<vmem>>
    %dma_start3A_107 = tpu.memref_squeeze %dma_start3A_106 : memref<1x8192xi32, #tpu.memory_space<vmem>> -> memref<8192xi32, #tpu.memory_space<vmem>>
    %dma_start3A_108 = tpu.memref_slice %arg2[%add3A_96] : memref<2097152xi32, #tpu.memory_space<hbm>> -> memref<8192xi32, #tpu.memory_space<hbm>>
    tpu.enqueue_dma source(%dma_start3A_108 : memref<8192xi32, #tpu.memory_space<hbm>>) target(%dma_start3A_107 : memref<8192xi32, #tpu.memory_space<vmem>>) target_semaphore(%dma_start3A_104 : memref<!tpu.dma_semaphore, #tpu.memory_space<semaphore_mem>>)
    %scan3A_109 = arith.constant 0 : i32
    %scan3A_110 = arith.constant 8 : i32
    %scan3A_111 = arith.addi %scan3A_109, %scan3A_110 : i32
    %scan3A_112 = arith.constant 1 : i32
    scf.for %scan3A_130 = %scan3A_109 to %scan3A_111 step %scan3A_112  : i32 {
      %mul3A_131 = arith.constant 1 : i32
      %mul3A_132 = arith.muli %scan3A_130, %mul3A_131 : i32
      %add3A_133 = arith.constant 0 : i32
      %add3A_134 = arith.addi %add3A_133, %mul3A_132 : i32
      %mul3A_135 = arith.constant 2 : i32
      %mul3A_136 = arith.muli %mul3A_135, %add3A_134 : i32
      %add3A_137 = arith.constant 0 : i32
      %add3A_138 = arith.addi %mul3A_136, %add3A_137 : i32
      %dma_wait3A_139 = arith.constant 0 : i32
      %dma_wait3A_140 = arith.constant 0 : i32
      %dma_wait3A_141 = arith.constant 0 : i32
      %dma_wait3A_142 = tpu.memref_slice %arg5[%dma_wait3A_139, %dma_wait3A_141] : memref<2x8192xi32, #tpu.memory_space<vmem>> -> memref<1x8192xi32, #tpu.memory_space<vmem>>
      %dma_wait3A_143 = tpu.memref_squeeze %dma_wait3A_142 : memref<1x8192xi32, #tpu.memory_space<vmem>> -> memref<8192xi32, #tpu.memory_space<vmem>>
      %dma_wait3A_144 = arith.constant 0 : i32
      %dma_wait3A_145 = tpu.memref_slice %arg2[%dma_wait3A_144] : memref<2097152xi32, #tpu.memory_space<hbm>> -> memref<8192xi32, #tpu.memory_space<hbm>>
      %dma_wait3A_146 = tpu.memref_slice %arg10[%dma_wait3A_140] : memref<2x!tpu.dma_semaphore, #tpu.memory_space<semaphore_mem>> -> memref<1x!tpu.dma_semaphore, #tpu.memory_space<semaphore_mem>>
      %dma_wait3A_147 = tpu.memref_squeeze %dma_wait3A_146 : memref<1x!tpu.dma_semaphore, #tpu.memory_space<semaphore_mem>> -> memref<!tpu.dma_semaphore, #tpu.memory_space<semaphore_mem>>
      %dma_wait3A_148 = arith.constant 0 : i32
      %dma_wait3A_149 = tpu.memref_slice %arg5[%dma_wait3A_139, %dma_wait3A_148] : memref<2x8192xi32, #tpu.memory_space<vmem>> -> memref<1x8192xi32, #tpu.memory_space<vmem>>
      %dma_wait3A_150 = tpu.memref_squeeze %dma_wait3A_149 : memref<1x8192xi32, #tpu.memory_space<vmem>> -> memref<8192xi32, #tpu.memory_space<vmem>>
      %dma_wait3A_151 = arith.constant 0 : i32
      %dma_wait3A_152 = tpu.memref_slice %arg2[%dma_wait3A_151] : memref<2097152xi32, #tpu.memory_space<hbm>> -> memref<8192xi32, #tpu.memory_space<hbm>>
      tpu.wait_dma2 semaphore(%dma_wait3A_147 : memref<!tpu.dma_semaphore, #tpu.memory_space<semaphore_mem>>) src(%dma_wait3A_152 : memref<8192xi32, #tpu.memory_space<hbm>>) dst(%dma_wait3A_150 : memref<8192xi32, #tpu.memory_space<vmem>>)
      %gt3A = arith.constant 0 : i32
      %gt3A_153 = arith.cmpi sgt, %add3A_134, %gt3A : i32
      %convert_element_type3A = arith.extui %gt3A_153 : i1 to i32
      %cond3A = arith.constant 0 : i32
      %cond3A_154 = arith.cmpi ne, %convert_element_type3A, %cond3A : i32
      scf.if %cond3A_154 {
        %dma_wait3A_211 = arith.constant 0 : i32
        %dma_wait3A_212 = arith.constant 0 : i32
        %dma_wait3A_213 = tpu.memref_slice %arg9[%dma_wait3A_212] : memref<532480xf32, #tpu.memory_space<vmem_shared>> -> memref<532480xf32, #tpu.memory_space<vmem_shared>>
        %dma_wait3A_214 = tpu.memref_slice %arg11[%dma_wait3A_211] : memref<2x!tpu.dma_semaphore, #tpu.memory_space<semaphore_mem>> -> memref<1x!tpu.dma_semaphore, #tpu.memory_space<semaphore_mem>>
        %dma_wait3A_215 = tpu.memref_squeeze %dma_wait3A_214 : memref<1x!tpu.dma_semaphore, #tpu.memory_space<semaphore_mem>> -> memref<!tpu.dma_semaphore, #tpu.memory_space<semaphore_mem>>
        tpu.wait_indirect_dma semaphore(%dma_wait3A_215 : memref<!tpu.dma_semaphore, #tpu.memory_space<semaphore_mem>>) src(%arg8 : memref<8192xf32, #tpu.memory_space<vmem>>) dst(%dma_wait3A_213 : memref<532480xf32, #tpu.memory_space<vmem_shared>>)
      } else {
      }
      %scan3A_155 = arith.constant 0 : i32
      %scan3A_156 = arith.constant 64 : i32
      %scan3A_157 = arith.addi %scan3A_155, %scan3A_156 : i32
      %scan3A_158 = arith.constant 1 : i32
      scf.for %scan3A_211 = %scan3A_155 to %scan3A_157 step %scan3A_158  : i32 {
        %mul3A_212 = arith.constant 1 : i32
        %mul3A_213 = arith.muli %scan3A_211, %mul3A_212 : i32
        %add3A_214 = arith.constant 0 : i32
        %add3A_215 = arith.addi %add3A_214, %mul3A_213 : i32
        %mul3A_216 = arith.constant 128 : i32
        %mul3A_217 = arith.muli %add3A_215, %mul3A_216 : i32
        %add3A_218 = arith.constant 0 : i32
        %add3A_219 = arith.addi %mul3A_217, %add3A_218 : i32
        %get3A = arith.constant 0 : i32
        %get3A_220 = arith.index_cast %get3A : i32 to index
        %get3A_221 = arith.index_cast %add3A_219 : i32 to index
        %get3A_222 = tpu.vector_load %arg5[%get3A_220, %get3A_221] {strides = array<i32>} : memref<2x8192xi32, #tpu.memory_space<vmem>>, vector<1x16xi32>,
        %get3A_223 = vector.shape_cast %get3A_222 : vector<1x16xi32> to vector<16xi32>
        %sub3A = vector.broadcast %mul3A_70 : i32 to vector<16xi32>
        %sub3A_224 = arith.subi %get3A_223, %sub3A : vector<16xi32>
        %ge3A = arith.constant 0 : i32
        %ge3A_225 = vector.broadcast %ge3A : i32 to vector<16xi32>
        %ge3A_226 = arith.cmpi sge, %sub3A_224, %ge3A_225 : vector<16xi32>
        %lt3A_227 = arith.constant 524288 : i32
        %lt3A_228 = vector.broadcast %lt3A_227 : i32 to vector<16xi32>
        %lt3A_229 = arith.cmpi slt, %sub3A_224, %lt3A_228 : vector<16xi32>
        %and3A = arith.andi %ge3A_226, %lt3A_229 : vector<16xi1>
        %and3A_230 = arith.constant 8191 : i32
        %and3A_231 = arith.andi %add3A_219, %and3A_230 : i32
        %add3A_232 = arith.constant 524288 : i32
        %add3A_233 = arith.addi %add3A_232, %and3A_231 : i32
        %broadcast_in_dim3A = vector.broadcast %add3A_233 : i32 to vector<16xi32>
        %select_n3A = arith.select %and3A, %sub3A_224, %broadcast_in_dim3A : vector<16xi1>, vector<16xi32>
        %swap3A = arith.index_cast %add3A_219 : i32 to index
        %swap3A_234 = tpu.vector_load %arg6[%swap3A] {strides = array<i32>} : memref<8192xi32, #tpu.memory_space<vmem>>, vector<16xi32>,
        %swap3A_235 = vector.shape_cast %swap3A_234 : vector<16xi32> to vector<16xi32>
        %swap3A_236 = vector.shape_cast %select_n3A : vector<16xi32> to vector<16xi32>
        tpu.vector_store %arg6[%swap3A], %swap3A_236 {strides = array<i32>} : memref<8192xi32, #tpu.memory_space<vmem>>, vector<16xi32>,
        %mul3A_237 = arith.constant 128 : i32
        %mul3A_238 = arith.muli %add3A_215, %mul3A_237 : i32
        %add3A_239 = arith.constant 16 : i32
        %add3A_240 = arith.addi %mul3A_238, %add3A_239 : i32
        %get3A_241 = arith.constant 0 : i32
        %get3A_242 = arith.index_cast %get3A_241 : i32 to index
        %get3A_243 = arith.index_cast %add3A_240 : i32 to index
        %get3A_244 = tpu.vector_load %arg5[%get3A_242, %get3A_243] {strides = array<i32>} : memref<2x8192xi32, #tpu.memory_space<vmem>>, vector<1x16xi32>,
        %get3A_245 = vector.shape_cast %get3A_244 : vector<1x16xi32> to vector<16xi32>
        %sub3A_246 = vector.broadcast %mul3A_70 : i32 to vector<16xi32>
        %sub3A_247 = arith.subi %get3A_245, %sub3A_246 : vector<16xi32>
        %ge3A_248 = arith.constant 0 : i32
        %ge3A_249 = vector.broadcast %ge3A_248 : i32 to vector<16xi32>
        %ge3A_250 = arith.cmpi sge, %sub3A_247, %ge3A_249 : vector<16xi32>
        %lt3A_251 = arith.constant 524288 : i32
        %lt3A_252 = vector.broadcast %lt3A_251 : i32 to vector<16xi32>
        %lt3A_253 = arith.cmpi slt, %sub3A_247, %lt3A_252 : vector<16xi32>
        %and3A_254 = arith.andi %ge3A_250, %lt3A_253 : vector<16xi1>
        %and3A_255 = arith.constant 8191 : i32
        %and3A_256 = arith.andi %add3A_240, %and3A_255 : i32
        %add3A_257 = arith.constant 524288 : i32
        %add3A_258 = arith.addi %add3A_257, %and3A_256 : i32
        %broadcast_in_dim3A_259 = vector.broadcast %add3A_258 : i32 to vector<16xi32>
        %select_n3A_260 = arith.select %and3A_254, %sub3A_247, %broadcast_in_dim3A_259 : vector<16xi1>, vector<16xi32>
        %swap3A_261 = arith.index_cast %add3A_240 : i32 to index
        %swap3A_262 = tpu.vector_load %arg6[%swap3A_261] {strides = array<i32>} : memref<8192xi32, #tpu.memory_space<vmem>>, vector<16xi32>,
        %swap3A_263 = vector.shape_cast %swap3A_262 : vector<16xi32> to vector<16xi32>
        %swap3A_264 = vector.shape_cast %select_n3A_260 : vector<16xi32> to vector<16xi32>
        tpu.vector_store %arg6[%swap3A_261], %swap3A_264 {strides = array<i32>} : memref<8192xi32, #tpu.memory_space<vmem>>, vector<16xi32>,
        %mul3A_265 = arith.constant 128 : i32
        %mul3A_266 = arith.muli %add3A_215, %mul3A_265 : i32
        %add3A_267 = arith.constant 32 : i32
        %add3A_268 = arith.addi %mul3A_266, %add3A_267 : i32
        %get3A_269 = arith.constant 0 : i32
        %get3A_270 = arith.index_cast %get3A_269 : i32 to index
        %get3A_271 = arith.index_cast %add3A_268 : i32 to index
        %get3A_272 = tpu.vector_load %arg5[%get3A_270, %get3A_271] {strides = array<i32>} : memref<2x8192xi32, #tpu.memory_space<vmem>>, vector<1x16xi32>,
        %get3A_273 = vector.shape_cast %get3A_272 : vector<1x16xi32> to vector<16xi32>
        %sub3A_274 = vector.broadcast %mul3A_70 : i32 to vector<16xi32>
        %sub3A_275 = arith.subi %get3A_273, %sub3A_274 : vector<16xi32>
        %ge3A_276 = arith.constant 0 : i32
        %ge3A_277 = vector.broadcast %ge3A_276 : i32 to vector<16xi32>
        %ge3A_278 = arith.cmpi sge, %sub3A_275, %ge3A_277 : vector<16xi32>
        %lt3A_279 = arith.constant 524288 : i32
        %lt3A_280 = vector.broadcast %lt3A_279 : i32 to vector<16xi32>
        %lt3A_281 = arith.cmpi slt, %sub3A_275, %lt3A_280 : vector<16xi32>
        %and3A_282 = arith.andi %ge3A_278, %lt3A_281 : vector<16xi1>
        %and3A_283 = arith.constant 8191 : i32
        %and3A_284 = arith.andi %add3A_268, %and3A_283 : i32
        %add3A_285 = arith.constant 524288 : i32
        %add3A_286 = arith.addi %add3A_285, %and3A_284 : i32
        %broadcast_in_dim3A_287 = vector.broadcast %add3A_286 : i32 to vector<16xi32>
        %select_n3A_288 = arith.select %and3A_282, %sub3A_275, %broadcast_in_dim3A_287 : vector<16xi1>, vector<16xi32>
        %swap3A_289 = arith.index_cast %add3A_268 : i32 to index
        %swap3A_290 = tpu.vector_load %arg6[%swap3A_289] {strides = array<i32>} : memref<8192xi32, #tpu.memory_space<vmem>>, vector<16xi32>,
        %swap3A_291 = vector.shape_cast %swap3A_290 : vector<16xi32> to vector<16xi32>
        %swap3A_292 = vector.shape_cast %select_n3A_288 : vector<16xi32> to vector<16xi32>
        tpu.vector_store %arg6[%swap3A_289], %swap3A_292 {strides = array<i32>} : memref<8192xi32, #tpu.memory_space<vmem>>, vector<16xi32>,
        %mul3A_293 = arith.constant 128 : i32
        %mul3A_294 = arith.muli %add3A_215, %mul3A_293 : i32
        %add3A_295 = arith.constant 48 : i32
        %add3A_296 = arith.addi %mul3A_294, %add3A_295 : i32
        %get3A_297 = arith.constant 0 : i32
        %get3A_298 = arith.index_cast %get3A_297 : i32 to index
        %get3A_299 = arith.index_cast %add3A_296 : i32 to index
        %get3A_300 = tpu.vector_load %arg5[%get3A_298, %get3A_299] {strides = array<i32>} : memref<2x8192xi32, #tpu.memory_space<vmem>>, vector<1x16xi32>,
        %get3A_301 = vector.shape_cast %get3A_300 : vector<1x16xi32> to vector<16xi32>
        %sub3A_302 = vector.broadcast %mul3A_70 : i32 to vector<16xi32>
        %sub3A_303 = arith.subi %get3A_301, %sub3A_302 : vector<16xi32>
        %ge3A_304 = arith.constant 0 : i32
        %ge3A_305 = vector.broadcast %ge3A_304 : i32 to vector<16xi32>
        %ge3A_306 = arith.cmpi sge, %sub3A_303, %ge3A_305 : vector<16xi32>
        %lt3A_307 = arith.constant 524288 : i32
        %lt3A_308 = vector.broadcast %lt3A_307 : i32 to vector<16xi32>
        %lt3A_309 = arith.cmpi slt, %sub3A_303, %lt3A_308 : vector<16xi32>
        %and3A_310 = arith.andi %ge3A_306, %lt3A_309 : vector<16xi1>
        %and3A_311 = arith.constant 8191 : i32
        %and3A_312 = arith.andi %add3A_296, %and3A_311 : i32
        %add3A_313 = arith.constant 524288 : i32
        %add3A_314 = arith.addi %add3A_313, %and3A_312 : i32
        %broadcast_in_dim3A_315 = vector.broadcast %add3A_314 : i32 to vector<16xi32>
        %select_n3A_316 = arith.select %and3A_310, %sub3A_303, %broadcast_in_dim3A_315 : vector<16xi1>, vector<16xi32>
        %swap3A_317 = arith.index_cast %add3A_296 : i32 to index
        %swap3A_318 = tpu.vector_load %arg6[%swap3A_317] {strides = array<i32>} : memref<8192xi32, #tpu.memory_space<vmem>>, vector<16xi32>,
        %swap3A_319 = vector.shape_cast %swap3A_318 : vector<16xi32> to vector<16xi32>
        %swap3A_320 = vector.shape_cast %select_n3A_316 : vector<16xi32> to vector<16xi32>
        tpu.vector_store %arg6[%swap3A_317], %swap3A_320 {strides = array<i32>} : memref<8192xi32, #tpu.memory_space<vmem>>, vector<16xi32>,
        %mul3A_321 = arith.constant 128 : i32
        %mul3A_322 = arith.muli %add3A_215, %mul3A_321 : i32
        %add3A_323 = arith.constant 64 : i32
        %add3A_324 = arith.addi %mul3A_322, %add3A_323 : i32
        %get3A_325 = arith.constant 0 : i32
        %get3A_326 = arith.index_cast %get3A_325 : i32 to index
        %get3A_327 = arith.index_cast %add3A_324 : i32 to index
        %get3A_328 = tpu.vector_load %arg5[%get3A_326, %get3A_327] {strides = array<i32>} : memref<2x8192xi32, #tpu.memory_space<vmem>>, vector<1x16xi32>,
        %get3A_329 = vector.shape_cast %get3A_328 : vector<1x16xi32> to vector<16xi32>
        %sub3A_330 = vector.broadcast %mul3A_70 : i32 to vector<16xi32>
        %sub3A_331 = arith.subi %get3A_329, %sub3A_330 : vector<16xi32>
        %ge3A_332 = arith.constant 0 : i32
        %ge3A_333 = vector.broadcast %ge3A_332 : i32 to vector<16xi32>
        %ge3A_334 = arith.cmpi sge, %sub3A_331, %ge3A_333 : vector<16xi32>
        %lt3A_335 = arith.constant 524288 : i32
        %lt3A_336 = vector.broadcast %lt3A_335 : i32 to vector<16xi32>
        %lt3A_337 = arith.cmpi slt, %sub3A_331, %lt3A_336 : vector<16xi32>
        %and3A_338 = arith.andi %ge3A_334, %lt3A_337 : vector<16xi1>
        %and3A_339 = arith.constant 8191 : i32
        %and3A_340 = arith.andi %add3A_324, %and3A_339 : i32
        %add3A_341 = arith.constant 524288 : i32
        %add3A_342 = arith.addi %add3A_341, %and3A_340 : i32
        %broadcast_in_dim3A_343 = vector.broadcast %add3A_342 : i32 to vector<16xi32>
        %select_n3A_344 = arith.select %and3A_338, %sub3A_331, %broadcast_in_dim3A_343 : vector<16xi1>, vector<16xi32>
        %swap3A_345 = arith.index_cast %add3A_324 : i32 to index
        %swap3A_346 = tpu.vector_load %arg6[%swap3A_345] {strides = array<i32>} : memref<8192xi32, #tpu.memory_space<vmem>>, vector<16xi32>,
        %swap3A_347 = vector.shape_cast %swap3A_346 : vector<16xi32> to vector<16xi32>
        %swap3A_348 = vector.shape_cast %select_n3A_344 : vector<16xi32> to vector<16xi32>
        tpu.vector_store %arg6[%swap3A_345], %swap3A_348 {strides = array<i32>} : memref<8192xi32, #tpu.memory_space<vmem>>, vector<16xi32>,
        %mul3A_349 = arith.constant 128 : i32
        %mul3A_350 = arith.muli %add3A_215, %mul3A_349 : i32
        %add3A_351 = arith.constant 80 : i32
        %add3A_352 = arith.addi %mul3A_350, %add3A_351 : i32
        %get3A_353 = arith.constant 0 : i32
        %get3A_354 = arith.index_cast %get3A_353 : i32 to index
        %get3A_355 = arith.index_cast %add3A_352 : i32 to index
        %get3A_356 = tpu.vector_load %arg5[%get3A_354, %get3A_355] {strides = array<i32>} : memref<2x8192xi32, #tpu.memory_space<vmem>>, vector<1x16xi32>,
        %get3A_357 = vector.shape_cast %get3A_356 : vector<1x16xi32> to vector<16xi32>
        %sub3A_358 = vector.broadcast %mul3A_70 : i32 to vector<16xi32>
        %sub3A_359 = arith.subi %get3A_357, %sub3A_358 : vector<16xi32>
        %ge3A_360 = arith.constant 0 : i32
        %ge3A_361 = vector.broadcast %ge3A_360 : i32 to vector<16xi32>
        %ge3A_362 = arith.cmpi sge, %sub3A_359, %ge3A_361 : vector<16xi32>
        %lt3A_363 = arith.constant 524288 : i32
        %lt3A_364 = vector.broadcast %lt3A_363 : i32 to vector<16xi32>
        %lt3A_365 = arith.cmpi slt, %sub3A_359, %lt3A_364 : vector<16xi32>
        %and3A_366 = arith.andi %ge3A_362, %lt3A_365 : vector<16xi1>
        %and3A_367 = arith.constant 8191 : i32
        %and3A_368 = arith.andi %add3A_352, %and3A_367 : i32
        %add3A_369 = arith.constant 524288 : i32
        %add3A_370 = arith.addi %add3A_369, %and3A_368 : i32
        %broadcast_in_dim3A_371 = vector.broadcast %add3A_370 : i32 to vector<16xi32>
        %select_n3A_372 = arith.select %and3A_366, %sub3A_359, %broadcast_in_dim3A_371 : vector<16xi1>, vector<16xi32>
        %swap3A_373 = arith.index_cast %add3A_352 : i32 to index
        %swap3A_374 = tpu.vector_load %arg6[%swap3A_373] {strides = array<i32>} : memref<8192xi32, #tpu.memory_space<vmem>>, vector<16xi32>,
        %swap3A_375 = vector.shape_cast %swap3A_374 : vector<16xi32> to vector<16xi32>
        %swap3A_376 = vector.shape_cast %select_n3A_372 : vector<16xi32> to vector<16xi32>
        tpu.vector_store %arg6[%swap3A_373], %swap3A_376 {strides = array<i32>} : memref<8192xi32, #tpu.memory_space<vmem>>, vector<16xi32>,
        %mul3A_377 = arith.constant 128 : i32
        %mul3A_378 = arith.muli %add3A_215, %mul3A_377 : i32
        %add3A_379 = arith.constant 96 : i32
        %add3A_380 = arith.addi %mul3A_378, %add3A_379 : i32
        %get3A_381 = arith.constant 0 : i32
        %get3A_382 = arith.index_cast %get3A_381 : i32 to index
        %get3A_383 = arith.index_cast %add3A_380 : i32 to index
        %get3A_384 = tpu.vector_load %arg5[%get3A_382, %get3A_383] {strides = array<i32>} : memref<2x8192xi32, #tpu.memory_space<vmem>>, vector<1x16xi32>,
        %get3A_385 = vector.shape_cast %get3A_384 : vector<1x16xi32> to vector<16xi32>
        %sub3A_386 = vector.broadcast %mul3A_70 : i32 to vector<16xi32>
        %sub3A_387 = arith.subi %get3A_385, %sub3A_386 : vector<16xi32>
        %ge3A_388 = arith.constant 0 : i32
        %ge3A_389 = vector.broadcast %ge3A_388 : i32 to vector<16xi32>
        %ge3A_390 = arith.cmpi sge, %sub3A_387, %ge3A_389 : vector<16xi32>
        %lt3A_391 = arith.constant 524288 : i32
        %lt3A_392 = vector.broadcast %lt3A_391 : i32 to vector<16xi32>
        %lt3A_393 = arith.cmpi slt, %sub3A_387, %lt3A_392 : vector<16xi32>
        %and3A_394 = arith.andi %ge3A_390, %lt3A_393 : vector<16xi1>
        %and3A_395 = arith.constant 8191 : i32
        %and3A_396 = arith.andi %add3A_380, %and3A_395 : i32
        %add3A_397 = arith.constant 524288 : i32
        %add3A_398 = arith.addi %add3A_397, %and3A_396 : i32
        %broadcast_in_dim3A_399 = vector.broadcast %add3A_398 : i32 to vector<16xi32>
        %select_n3A_400 = arith.select %and3A_394, %sub3A_387, %broadcast_in_dim3A_399 : vector<16xi1>, vector<16xi32>
        %swap3A_401 = arith.index_cast %add3A_380 : i32 to index
        %swap3A_402 = tpu.vector_load %arg6[%swap3A_401] {strides = array<i32>} : memref<8192xi32, #tpu.memory_space<vmem>>, vector<16xi32>,
        %swap3A_403 = vector.shape_cast %swap3A_402 : vector<16xi32> to vector<16xi32>
        %swap3A_404 = vector.shape_cast %select_n3A_400 : vector<16xi32> to vector<16xi32>
        tpu.vector_store %arg6[%swap3A_401], %swap3A_404 {strides = array<i32>} : memref<8192xi32, #tpu.memory_space<vmem>>, vector<16xi32>,
        %mul3A_405 = arith.constant 128 : i32
        %mul3A_406 = arith.muli %add3A_215, %mul3A_405 : i32
        %add3A_407 = arith.constant 112 : i32
        %add3A_408 = arith.addi %mul3A_406, %add3A_407 : i32
        %get3A_409 = arith.constant 0 : i32
        %get3A_410 = arith.index_cast %get3A_409 : i32 to index
        %get3A_411 = arith.index_cast %add3A_408 : i32 to index
        %get3A_412 = tpu.vector_load %arg5[%get3A_410, %get3A_411] {strides = array<i32>} : memref<2x8192xi32, #tpu.memory_space<vmem>>, vector<1x16xi32>,
        %get3A_413 = vector.shape_cast %get3A_412 : vector<1x16xi32> to vector<16xi32>
        %sub3A_414 = vector.broadcast %mul3A_70 : i32 to vector<16xi32>
        %sub3A_415 = arith.subi %get3A_413, %sub3A_414 : vector<16xi32>
        %ge3A_416 = arith.constant 0 : i32
        %ge3A_417 = vector.broadcast %ge3A_416 : i32 to vector<16xi32>
        %ge3A_418 = arith.cmpi sge, %sub3A_415, %ge3A_417 : vector<16xi32>
        %lt3A_419 = arith.constant 524288 : i32
        %lt3A_420 = vector.broadcast %lt3A_419 : i32 to vector<16xi32>
        %lt3A_421 = arith.cmpi slt, %sub3A_415, %lt3A_420 : vector<16xi32>
        %and3A_422 = arith.andi %ge3A_418, %lt3A_421 : vector<16xi1>
        %and3A_423 = arith.constant 8191 : i32
        %and3A_424 = arith.andi %add3A_408, %and3A_423 : i32
        %add3A_425 = arith.constant 524288 : i32
        %add3A_426 = arith.addi %add3A_425, %and3A_424 : i32
        %broadcast_in_dim3A_427 = vector.broadcast %add3A_426 : i32 to vector<16xi32>
        %select_n3A_428 = arith.select %and3A_422, %sub3A_415, %broadcast_in_dim3A_427 : vector<16xi1>, vector<16xi32>
        %swap3A_429 = arith.index_cast %add3A_408 : i32 to index
        %swap3A_430 = tpu.vector_load %arg6[%swap3A_429] {strides = array<i32>} : memref<8192xi32, #tpu.memory_space<vmem>>, vector<16xi32>,
        %swap3A_431 = vector.shape_cast %swap3A_430 : vector<16xi32> to vector<16xi32>
        %swap3A_432 = vector.shape_cast %select_n3A_428 : vector<16xi32> to vector<16xi32>
        tpu.vector_store %arg6[%swap3A_429], %swap3A_432 {strides = array<i32>} : memref<8192xi32, #tpu.memory_space<vmem>>, vector<16xi32>,
      }
      %scan3A_159 = arith.constant 64 : i32
      %dma_start3A_160 = arith.constant 0 : i32
      %dma_start3A_161 = arith.constant 0 : i32
      %dma_start3A_162 = tpu.memref_slice %arg9[%dma_start3A_161] : memref<532480xf32, #tpu.memory_space<vmem_shared>> -> memref<532480xf32, #tpu.memory_space<vmem_shared>>
      %dma_start3A_163 = tpu.memref_slice %arg11[%dma_start3A_160] : memref<2x!tpu.dma_semaphore, #tpu.memory_space<semaphore_mem>> -> memref<1x!tpu.dma_semaphore, #tpu.memory_space<semaphore_mem>>
      %dma_start3A_164 = tpu.memref_squeeze %dma_start3A_163 : memref<1x!tpu.dma_semaphore, #tpu.memory_space<semaphore_mem>> -> memref<!tpu.dma_semaphore, #tpu.memory_space<semaphore_mem>>
      tpu.enqueue_indirect_dma source(%arg8 : memref<8192xf32, #tpu.memory_space<vmem>>) target(%dma_start3A_162 : memref<532480xf32, #tpu.memory_space<vmem_shared>>) offsets(%arg6 : memref<8192xi32, #tpu.memory_space<vmem>>) semaphore(%dma_start3A_164 : memref<!tpu.dma_semaphore, #tpu.memory_space<semaphore_mem>>)
      %add3A_165 = arith.constant 1 : i32
      %add3A_166 = arith.addi %add3A_134, %add3A_165 : i32
      %lt3A = arith.constant 8 : i32
      %lt3A_167 = arith.cmpi slt, %add3A_166, %lt3A : i32
      %convert_element_type3A_168 = arith.extui %lt3A_167 : i1 to i32
      %cond3A_169 = arith.constant 0 : i32
      %cond3A_170 = arith.cmpi ne, %convert_element_type3A_168, %cond3A_169 : i32
      scf.if %cond3A_170 {
        %add3A_211 = arith.constant 2 : i32
        %add3A_212 = arith.addi %add3A_138, %add3A_211 : i32
        %mul3A_213 = arith.constant 131072 : i32
        %mul3A_214 = arith.muli %arg1, %mul3A_213 : i32
        %mul3A_215 = arith.constant 8192 : i32
        %mul3A_216 = arith.muli %add3A_212, %mul3A_215 : i32
        %add3A_217 = arith.addi %mul3A_214, %mul3A_216 : i32
        %dma_start3A_218 = arith.constant 0 : i32
        %dma_start3A_219 = arith.constant 0 : i32
        %dma_start3A_220 = arith.constant 0 : i32
        %dma_start3A_221 = tpu.memref_slice %arg5[%dma_start3A_218, %dma_start3A_220] : memref<2x8192xi32, #tpu.memory_space<vmem>> -> memref<1x8192xi32, #tpu.memory_space<vmem>>
        %dma_start3A_222 = tpu.memref_squeeze %dma_start3A_221 : memref<1x8192xi32, #tpu.memory_space<vmem>> -> memref<8192xi32, #tpu.memory_space<vmem>>
        %dma_start3A_223 = tpu.memref_slice %arg2[%add3A_217] : memref<2097152xi32, #tpu.memory_space<hbm>> -> memref<8192xi32, #tpu.memory_space<hbm>>
        %dma_start3A_224 = tpu.memref_slice %arg10[%dma_start3A_219] : memref<2x!tpu.dma_semaphore, #tpu.memory_space<semaphore_mem>> -> memref<1x!tpu.dma_semaphore, #tpu.memory_space<semaphore_mem>>
        %dma_start3A_225 = tpu.memref_squeeze %dma_start3A_224 : memref<1x!tpu.dma_semaphore, #tpu.memory_space<semaphore_mem>> -> memref<!tpu.dma_semaphore, #tpu.memory_space<semaphore_mem>>
        %dma_start3A_226 = arith.constant 0 : i32
        %dma_start3A_227 = tpu.memref_slice %arg5[%dma_start3A_218, %dma_start3A_226] : memref<2x8192xi32, #tpu.memory_space<vmem>> -> memref<1x8192xi32, #tpu.memory_space<vmem>>
        %dma_start3A_228 = tpu.memref_squeeze %dma_start3A_227 : memref<1x8192xi32, #tpu.memory_space<vmem>> -> memref<8192xi32, #tpu.memory_space<vmem>>
        %dma_start3A_229 = tpu.memref_slice %arg2[%add3A_217] : memref<2097152xi32, #tpu.memory_space<hbm>> -> memref<8192xi32, #tpu.memory_space<hbm>>
        tpu.enqueue_dma source(%dma_start3A_229 : memref<8192xi32, #tpu.memory_space<hbm>>) target(%dma_start3A_228 : memref<8192xi32, #tpu.memory_space<vmem>>) target_semaphore(%dma_start3A_225 : memref<!tpu.dma_semaphore, #tpu.memory_space<semaphore_mem>>)
      } else {
      }
      %mul3A_171 = arith.constant 2 : i32
      %mul3A_172 = arith.muli %mul3A_171, %add3A_134 : i32
      %add3A_173 = arith.constant 1 : i32
      %add3A_174 = arith.addi %mul3A_172, %add3A_173 : i32
      %dma_wait3A_175 = arith.constant 1 : i32
      %dma_wait3A_176 = arith.constant 1 : i32
      %dma_wait3A_177 = arith.constant 0 : i32
      %dma_wait3A_178 = tpu.memref_slice %arg5[%dma_wait3A_175, %dma_wait3A_177] : memref<2x8192xi32, #tpu.memory_space<vmem>> -> memref<1x8192xi32, #tpu.memory_space<vmem>>
      %dma_wait3A_179 = tpu.memref_squeeze %dma_wait3A_178 : memref<1x8192xi32, #tpu.memory_space<vmem>> -> memref<8192xi32, #tpu.memory_space<vmem>>
      %dma_wait3A_180 = arith.constant 0 : i32
      %dma_wait3A_181 = tpu.memref_slice %arg2[%dma_wait3A_180] : memref<2097152xi32, #tpu.memory_space<hbm>> -> memref<8192xi32, #tpu.memory_space<hbm>>
      %dma_wait3A_182 = tpu.memref_slice %arg10[%dma_wait3A_176] : memref<2x!tpu.dma_semaphore, #tpu.memory_space<semaphore_mem>> -> memref<1x!tpu.dma_semaphore, #tpu.memory_space<semaphore_mem>>
      %dma_wait3A_183 = tpu.memref_squeeze %dma_wait3A_182 : memref<1x!tpu.dma_semaphore, #tpu.memory_space<semaphore_mem>> -> memref<!tpu.dma_semaphore, #tpu.memory_space<semaphore_mem>>
      %dma_wait3A_184 = arith.constant 0 : i32
      %dma_wait3A_185 = tpu.memref_slice %arg5[%dma_wait3A_175, %dma_wait3A_184] : memref<2x8192xi32, #tpu.memory_space<vmem>> -> memref<1x8192xi32, #tpu.memory_space<vmem>>
      %dma_wait3A_186 = tpu.memref_squeeze %dma_wait3A_185 : memref<1x8192xi32, #tpu.memory_space<vmem>> -> memref<8192xi32, #tpu.memory_space<vmem>>
      %dma_wait3A_187 = arith.constant 0 : i32
      %dma_wait3A_188 = tpu.memref_slice %arg2[%dma_wait3A_187] : memref<2097152xi32, #tpu.memory_space<hbm>> -> memref<8192xi32, #tpu.memory_space<hbm>>
      tpu.wait_dma2 semaphore(%dma_wait3A_183 : memref<!tpu.dma_semaphore, #tpu.memory_space<semaphore_mem>>) src(%dma_wait3A_188 : memref<8192xi32, #tpu.memory_space<hbm>>) dst(%dma_wait3A_186 : memref<8192xi32, #tpu.memory_space<vmem>>)
      %gt3A_189 = arith.constant 0 : i32
      %gt3A_190 = arith.cmpi sgt, %add3A_134, %gt3A_189 : i32
      %convert_element_type3A_191 = arith.extui %gt3A_190 : i1 to i32
      %cond3A_192 = arith.constant 0 : i32
      %cond3A_193 = arith.cmpi ne, %convert_element_type3A_191, %cond3A_192 : i32
      scf.if %cond3A_193 {
        %dma_wait3A_211 = arith.constant 1 : i32
        %dma_wait3A_212 = arith.constant 0 : i32
        %dma_wait3A_213 = tpu.memref_slice %arg9[%dma_wait3A_212] : memref<532480xf32, #tpu.memory_space<vmem_shared>> -> memref<532480xf32, #tpu.memory_space<vmem_shared>>
        %dma_wait3A_214 = tpu.memref_slice %arg11[%dma_wait3A_211] : memref<2x!tpu.dma_semaphore, #tpu.memory_space<semaphore_mem>> -> memref<1x!tpu.dma_semaphore, #tpu.memory_space<semaphore_mem>>
        %dma_wait3A_215 = tpu.memref_squeeze %dma_wait3A_214 : memref<1x!tpu.dma_semaphore, #tpu.memory_space<semaphore_mem>> -> memref<!tpu.dma_semaphore, #tpu.memory_space<semaphore_mem>>
        tpu.wait_indirect_dma semaphore(%dma_wait3A_215 : memref<!tpu.dma_semaphore, #tpu.memory_space<semaphore_mem>>) src(%arg8 : memref<8192xf32, #tpu.memory_space<vmem>>) dst(%dma_wait3A_213 : memref<532480xf32, #tpu.memory_space<vmem_shared>>)
      } else {
      }
      %scan3A_194 = arith.constant 0 : i32
      %scan3A_195 = arith.constant 64 : i32
      %scan3A_196 = arith.addi %scan3A_194, %scan3A_195 : i32
      %scan3A_197 = arith.constant 1 : i32
      scf.for %scan3A_211 = %scan3A_194 to %scan3A_196 step %scan3A_197  : i32 {
        %mul3A_212 = arith.constant 1 : i32
        %mul3A_213 = arith.muli %scan3A_211, %mul3A_212 : i32
        %add3A_214 = arith.constant 0 : i32
        %add3A_215 = arith.addi %add3A_214, %mul3A_213 : i32
        %mul3A_216 = arith.constant 128 : i32
        %mul3A_217 = arith.muli %add3A_215, %mul3A_216 : i32
        %add3A_218 = arith.constant 0 : i32
        %add3A_219 = arith.addi %mul3A_217, %add3A_218 : i32
        %get3A = arith.constant 1 : i32
        %get3A_220 = arith.index_cast %get3A : i32 to index
        %get3A_221 = arith.index_cast %add3A_219 : i32 to index
        %get3A_222 = tpu.vector_load %arg5[%get3A_220, %get3A_221] {strides = array<i32>} : memref<2x8192xi32, #tpu.memory_space<vmem>>, vector<1x16xi32>,
        %get3A_223 = vector.shape_cast %get3A_222 : vector<1x16xi32> to vector<16xi32>
        %sub3A = vector.broadcast %mul3A_70 : i32 to vector<16xi32>
        %sub3A_224 = arith.subi %get3A_223, %sub3A : vector<16xi32>
        %ge3A = arith.constant 0 : i32
        %ge3A_225 = vector.broadcast %ge3A : i32 to vector<16xi32>
        %ge3A_226 = arith.cmpi sge, %sub3A_224, %ge3A_225 : vector<16xi32>
        %lt3A_227 = arith.constant 524288 : i32
        %lt3A_228 = vector.broadcast %lt3A_227 : i32 to vector<16xi32>
        %lt3A_229 = arith.cmpi slt, %sub3A_224, %lt3A_228 : vector<16xi32>
        %and3A = arith.andi %ge3A_226, %lt3A_229 : vector<16xi1>
        %and3A_230 = arith.constant 8191 : i32
        %and3A_231 = arith.andi %add3A_219, %and3A_230 : i32
        %add3A_232 = arith.constant 524288 : i32
        %add3A_233 = arith.addi %add3A_232, %and3A_231 : i32
        %broadcast_in_dim3A = vector.broadcast %add3A_233 : i32 to vector<16xi32>
        %select_n3A = arith.select %and3A, %sub3A_224, %broadcast_in_dim3A : vector<16xi1>, vector<16xi32>
        %swap3A = arith.index_cast %add3A_219 : i32 to index
        %swap3A_234 = tpu.vector_load %arg7[%swap3A] {strides = array<i32>} : memref<8192xi32, #tpu.memory_space<vmem>>, vector<16xi32>,
        %swap3A_235 = vector.shape_cast %swap3A_234 : vector<16xi32> to vector<16xi32>
        %swap3A_236 = vector.shape_cast %select_n3A : vector<16xi32> to vector<16xi32>
        tpu.vector_store %arg7[%swap3A], %swap3A_236 {strides = array<i32>} : memref<8192xi32, #tpu.memory_space<vmem>>, vector<16xi32>,
        %mul3A_237 = arith.constant 128 : i32
        %mul3A_238 = arith.muli %add3A_215, %mul3A_237 : i32
        %add3A_239 = arith.constant 16 : i32
        %add3A_240 = arith.addi %mul3A_238, %add3A_239 : i32
        %get3A_241 = arith.constant 1 : i32
        %get3A_242 = arith.index_cast %get3A_241 : i32 to index
        %get3A_243 = arith.index_cast %add3A_240 : i32 to index
        %get3A_244 = tpu.vector_load %arg5[%get3A_242, %get3A_243] {strides = array<i32>} : memref<2x8192xi32, #tpu.memory_space<vmem>>, vector<1x16xi32>,
        %get3A_245 = vector.shape_cast %get3A_244 : vector<1x16xi32> to vector<16xi32>
        %sub3A_246 = vector.broadcast %mul3A_70 : i32 to vector<16xi32>
        %sub3A_247 = arith.subi %get3A_245, %sub3A_246 : vector<16xi32>
        %ge3A_248 = arith.constant 0 : i32
        %ge3A_249 = vector.broadcast %ge3A_248 : i32 to vector<16xi32>
        %ge3A_250 = arith.cmpi sge, %sub3A_247, %ge3A_249 : vector<16xi32>
        %lt3A_251 = arith.constant 524288 : i32
        %lt3A_252 = vector.broadcast %lt3A_251 : i32 to vector<16xi32>
        %lt3A_253 = arith.cmpi slt, %sub3A_247, %lt3A_252 : vector<16xi32>
        %and3A_254 = arith.andi %ge3A_250, %lt3A_253 : vector<16xi1>
        %and3A_255 = arith.constant 8191 : i32
        %and3A_256 = arith.andi %add3A_240, %and3A_255 : i32
        %add3A_257 = arith.constant 524288 : i32
        %add3A_258 = arith.addi %add3A_257, %and3A_256 : i32
        %broadcast_in_dim3A_259 = vector.broadcast %add3A_258 : i32 to vector<16xi32>
        %select_n3A_260 = arith.select %and3A_254, %sub3A_247, %broadcast_in_dim3A_259 : vector<16xi1>, vector<16xi32>
        %swap3A_261 = arith.index_cast %add3A_240 : i32 to index
        %swap3A_262 = tpu.vector_load %arg7[%swap3A_261] {strides = array<i32>} : memref<8192xi32, #tpu.memory_space<vmem>>, vector<16xi32>,
        %swap3A_263 = vector.shape_cast %swap3A_262 : vector<16xi32> to vector<16xi32>
        %swap3A_264 = vector.shape_cast %select_n3A_260 : vector<16xi32> to vector<16xi32>
        tpu.vector_store %arg7[%swap3A_261], %swap3A_264 {strides = array<i32>} : memref<8192xi32, #tpu.memory_space<vmem>>, vector<16xi32>,
        %mul3A_265 = arith.constant 128 : i32
        %mul3A_266 = arith.muli %add3A_215, %mul3A_265 : i32
        %add3A_267 = arith.constant 32 : i32
        %add3A_268 = arith.addi %mul3A_266, %add3A_267 : i32
        %get3A_269 = arith.constant 1 : i32
        %get3A_270 = arith.index_cast %get3A_269 : i32 to index
        %get3A_271 = arith.index_cast %add3A_268 : i32 to index
        %get3A_272 = tpu.vector_load %arg5[%get3A_270, %get3A_271] {strides = array<i32>} : memref<2x8192xi32, #tpu.memory_space<vmem>>, vector<1x16xi32>,
        %get3A_273 = vector.shape_cast %get3A_272 : vector<1x16xi32> to vector<16xi32>
        %sub3A_274 = vector.broadcast %mul3A_70 : i32 to vector<16xi32>
        %sub3A_275 = arith.subi %get3A_273, %sub3A_274 : vector<16xi32>
        %ge3A_276 = arith.constant 0 : i32
        %ge3A_277 = vector.broadcast %ge3A_276 : i32 to vector<16xi32>
        %ge3A_278 = arith.cmpi sge, %sub3A_275, %ge3A_277 : vector<16xi32>
        %lt3A_279 = arith.constant 524288 : i32
        %lt3A_280 = vector.broadcast %lt3A_279 : i32 to vector<16xi32>
        %lt3A_281 = arith.cmpi slt, %sub3A_275, %lt3A_280 : vector<16xi32>
        %and3A_282 = arith.andi %ge3A_278, %lt3A_281 : vector<16xi1>
        %and3A_283 = arith.constant 8191 : i32
        %and3A_284 = arith.andi %add3A_268, %and3A_283 : i32
        %add3A_285 = arith.constant 524288 : i32
        %add3A_286 = arith.addi %add3A_285, %and3A_284 : i32
        %broadcast_in_dim3A_287 = vector.broadcast %add3A_286 : i32 to vector<16xi32>
        %select_n3A_288 = arith.select %and3A_282, %sub3A_275, %broadcast_in_dim3A_287 : vector<16xi1>, vector<16xi32>
        %swap3A_289 = arith.index_cast %add3A_268 : i32 to index
        %swap3A_290 = tpu.vector_load %arg7[%swap3A_289] {strides = array<i32>} : memref<8192xi32, #tpu.memory_space<vmem>>, vector<16xi32>,
        %swap3A_291 = vector.shape_cast %swap3A_290 : vector<16xi32> to vector<16xi32>
        %swap3A_292 = vector.shape_cast %select_n3A_288 : vector<16xi32> to vector<16xi32>
        tpu.vector_store %arg7[%swap3A_289], %swap3A_292 {strides = array<i32>} : memref<8192xi32, #tpu.memory_space<vmem>>, vector<16xi32>,
        %mul3A_293 = arith.constant 128 : i32
        %mul3A_294 = arith.muli %add3A_215, %mul3A_293 : i32
        %add3A_295 = arith.constant 48 : i32
        %add3A_296 = arith.addi %mul3A_294, %add3A_295 : i32
        %get3A_297 = arith.constant 1 : i32
        %get3A_298 = arith.index_cast %get3A_297 : i32 to index
        %get3A_299 = arith.index_cast %add3A_296 : i32 to index
        %get3A_300 = tpu.vector_load %arg5[%get3A_298, %get3A_299] {strides = array<i32>} : memref<2x8192xi32, #tpu.memory_space<vmem>>, vector<1x16xi32>,
        %get3A_301 = vector.shape_cast %get3A_300 : vector<1x16xi32> to vector<16xi32>
        %sub3A_302 = vector.broadcast %mul3A_70 : i32 to vector<16xi32>
        %sub3A_303 = arith.subi %get3A_301, %sub3A_302 : vector<16xi32>
        %ge3A_304 = arith.constant 0 : i32
        %ge3A_305 = vector.broadcast %ge3A_304 : i32 to vector<16xi32>
        %ge3A_306 = arith.cmpi sge, %sub3A_303, %ge3A_305 : vector<16xi32>
        %lt3A_307 = arith.constant 524288 : i32
        %lt3A_308 = vector.broadcast %lt3A_307 : i32 to vector<16xi32>
        %lt3A_309 = arith.cmpi slt, %sub3A_303, %lt3A_308 : vector<16xi32>
        %and3A_310 = arith.andi %ge3A_306, %lt3A_309 : vector<16xi1>
        %and3A_311 = arith.constant 8191 : i32
        %and3A_312 = arith.andi %add3A_296, %and3A_311 : i32
        %add3A_313 = arith.constant 524288 : i32
        %add3A_314 = arith.addi %add3A_313, %and3A_312 : i32
        %broadcast_in_dim3A_315 = vector.broadcast %add3A_314 : i32 to vector<16xi32>
        %select_n3A_316 = arith.select %and3A_310, %sub3A_303, %broadcast_in_dim3A_315 : vector<16xi1>, vector<16xi32>
        %swap3A_317 = arith.index_cast %add3A_296 : i32 to index
        %swap3A_318 = tpu.vector_load %arg7[%swap3A_317] {strides = array<i32>} : memref<8192xi32, #tpu.memory_space<vmem>>, vector<16xi32>,
        %swap3A_319 = vector.shape_cast %swap3A_318 : vector<16xi32> to vector<16xi32>
        %swap3A_320 = vector.shape_cast %select_n3A_316 : vector<16xi32> to vector<16xi32>
        tpu.vector_store %arg7[%swap3A_317], %swap3A_320 {strides = array<i32>} : memref<8192xi32, #tpu.memory_space<vmem>>, vector<16xi32>,
        %mul3A_321 = arith.constant 128 : i32
        %mul3A_322 = arith.muli %add3A_215, %mul3A_321 : i32
        %add3A_323 = arith.constant 64 : i32
        %add3A_324 = arith.addi %mul3A_322, %add3A_323 : i32
        %get3A_325 = arith.constant 1 : i32
        %get3A_326 = arith.index_cast %get3A_325 : i32 to index
        %get3A_327 = arith.index_cast %add3A_324 : i32 to index
        %get3A_328 = tpu.vector_load %arg5[%get3A_326, %get3A_327] {strides = array<i32>} : memref<2x8192xi32, #tpu.memory_space<vmem>>, vector<1x16xi32>,
        %get3A_329 = vector.shape_cast %get3A_328 : vector<1x16xi32> to vector<16xi32>
        %sub3A_330 = vector.broadcast %mul3A_70 : i32 to vector<16xi32>
        %sub3A_331 = arith.subi %get3A_329, %sub3A_330 : vector<16xi32>
        %ge3A_332 = arith.constant 0 : i32
        %ge3A_333 = vector.broadcast %ge3A_332 : i32 to vector<16xi32>
        %ge3A_334 = arith.cmpi sge, %sub3A_331, %ge3A_333 : vector<16xi32>
        %lt3A_335 = arith.constant 524288 : i32
        %lt3A_336 = vector.broadcast %lt3A_335 : i32 to vector<16xi32>
        %lt3A_337 = arith.cmpi slt, %sub3A_331, %lt3A_336 : vector<16xi32>
        %and3A_338 = arith.andi %ge3A_334, %lt3A_337 : vector<16xi1>
        %and3A_339 = arith.constant 8191 : i32
        %and3A_340 = arith.andi %add3A_324, %and3A_339 : i32
        %add3A_341 = arith.constant 524288 : i32
        %add3A_342 = arith.addi %add3A_341, %and3A_340 : i32
        %broadcast_in_dim3A_343 = vector.broadcast %add3A_342 : i32 to vector<16xi32>
        %select_n3A_344 = arith.select %and3A_338, %sub3A_331, %broadcast_in_dim3A_343 : vector<16xi1>, vector<16xi32>
        %swap3A_345 = arith.index_cast %add3A_324 : i32 to index
        %swap3A_346 = tpu.vector_load %arg7[%swap3A_345] {strides = array<i32>} : memref<8192xi32, #tpu.memory_space<vmem>>, vector<16xi32>,
        %swap3A_347 = vector.shape_cast %swap3A_346 : vector<16xi32> to vector<16xi32>
        %swap3A_348 = vector.shape_cast %select_n3A_344 : vector<16xi32> to vector<16xi32>
        tpu.vector_store %arg7[%swap3A_345], %swap3A_348 {strides = array<i32>} : memref<8192xi32, #tpu.memory_space<vmem>>, vector<16xi32>,
        %mul3A_349 = arith.constant 128 : i32
        %mul3A_350 = arith.muli %add3A_215, %mul3A_349 : i32
        %add3A_351 = arith.constant 80 : i32
        %add3A_352 = arith.addi %mul3A_350, %add3A_351 : i32
        %get3A_353 = arith.constant 1 : i32
        %get3A_354 = arith.index_cast %get3A_353 : i32 to index
        %get3A_355 = arith.index_cast %add3A_352 : i32 to index
        %get3A_356 = tpu.vector_load %arg5[%get3A_354, %get3A_355] {strides = array<i32>} : memref<2x8192xi32, #tpu.memory_space<vmem>>, vector<1x16xi32>,
        %get3A_357 = vector.shape_cast %get3A_356 : vector<1x16xi32> to vector<16xi32>
        %sub3A_358 = vector.broadcast %mul3A_70 : i32 to vector<16xi32>
        %sub3A_359 = arith.subi %get3A_357, %sub3A_358 : vector<16xi32>
        %ge3A_360 = arith.constant 0 : i32
        %ge3A_361 = vector.broadcast %ge3A_360 : i32 to vector<16xi32>
        %ge3A_362 = arith.cmpi sge, %sub3A_359, %ge3A_361 : vector<16xi32>
        %lt3A_363 = arith.constant 524288 : i32
        %lt3A_364 = vector.broadcast %lt3A_363 : i32 to vector<16xi32>
        %lt3A_365 = arith.cmpi slt, %sub3A_359, %lt3A_364 : vector<16xi32>
        %and3A_366 = arith.andi %ge3A_362, %lt3A_365 : vector<16xi1>
        %and3A_367 = arith.constant 8191 : i32
        %and3A_368 = arith.andi %add3A_352, %and3A_367 : i32
        %add3A_369 = arith.constant 524288 : i32
        %add3A_370 = arith.addi %add3A_369, %and3A_368 : i32
        %broadcast_in_dim3A_371 = vector.broadcast %add3A_370 : i32 to vector<16xi32>
        %select_n3A_372 = arith.select %and3A_366, %sub3A_359, %broadcast_in_dim3A_371 : vector<16xi1>, vector<16xi32>
        %swap3A_373 = arith.index_cast %add3A_352 : i32 to index
        %swap3A_374 = tpu.vector_load %arg7[%swap3A_373] {strides = array<i32>} : memref<8192xi32, #tpu.memory_space<vmem>>, vector<16xi32>,
        %swap3A_375 = vector.shape_cast %swap3A_374 : vector<16xi32> to vector<16xi32>
        %swap3A_376 = vector.shape_cast %select_n3A_372 : vector<16xi32> to vector<16xi32>
        tpu.vector_store %arg7[%swap3A_373], %swap3A_376 {strides = array<i32>} : memref<8192xi32, #tpu.memory_space<vmem>>, vector<16xi32>,
        %mul3A_377 = arith.constant 128 : i32
        %mul3A_378 = arith.muli %add3A_215, %mul3A_377 : i32
        %add3A_379 = arith.constant 96 : i32
        %add3A_380 = arith.addi %mul3A_378, %add3A_379 : i32
        %get3A_381 = arith.constant 1 : i32
        %get3A_382 = arith.index_cast %get3A_381 : i32 to index
        %get3A_383 = arith.index_cast %add3A_380 : i32 to index
        %get3A_384 = tpu.vector_load %arg5[%get3A_382, %get3A_383] {strides = array<i32>} : memref<2x8192xi32, #tpu.memory_space<vmem>>, vector<1x16xi32>,
        %get3A_385 = vector.shape_cast %get3A_384 : vector<1x16xi32> to vector<16xi32>
        %sub3A_386 = vector.broadcast %mul3A_70 : i32 to vector<16xi32>
        %sub3A_387 = arith.subi %get3A_385, %sub3A_386 : vector<16xi32>
        %ge3A_388 = arith.constant 0 : i32
        %ge3A_389 = vector.broadcast %ge3A_388 : i32 to vector<16xi32>
        %ge3A_390 = arith.cmpi sge, %sub3A_387, %ge3A_389 : vector<16xi32>
        %lt3A_391 = arith.constant 524288 : i32
        %lt3A_392 = vector.broadcast %lt3A_391 : i32 to vector<16xi32>
        %lt3A_393 = arith.cmpi slt, %sub3A_387, %lt3A_392 : vector<16xi32>
        %and3A_394 = arith.andi %ge3A_390, %lt3A_393 : vector<16xi1>
        %and3A_395 = arith.constant 8191 : i32
        %and3A_396 = arith.andi %add3A_380, %and3A_395 : i32
        %add3A_397 = arith.constant 524288 : i32
        %add3A_398 = arith.addi %add3A_397, %and3A_396 : i32
        %broadcast_in_dim3A_399 = vector.broadcast %add3A_398 : i32 to vector<16xi32>
        %select_n3A_400 = arith.select %and3A_394, %sub3A_387, %broadcast_in_dim3A_399 : vector<16xi1>, vector<16xi32>
        %swap3A_401 = arith.index_cast %add3A_380 : i32 to index
        %swap3A_402 = tpu.vector_load %arg7[%swap3A_401] {strides = array<i32>} : memref<8192xi32, #tpu.memory_space<vmem>>, vector<16xi32>,
        %swap3A_403 = vector.shape_cast %swap3A_402 : vector<16xi32> to vector<16xi32>
        %swap3A_404 = vector.shape_cast %select_n3A_400 : vector<16xi32> to vector<16xi32>
        tpu.vector_store %arg7[%swap3A_401], %swap3A_404 {strides = array<i32>} : memref<8192xi32, #tpu.memory_space<vmem>>, vector<16xi32>,
        %mul3A_405 = arith.constant 128 : i32
        %mul3A_406 = arith.muli %add3A_215, %mul3A_405 : i32
        %add3A_407 = arith.constant 112 : i32
        %add3A_408 = arith.addi %mul3A_406, %add3A_407 : i32
        %get3A_409 = arith.constant 1 : i32
        %get3A_410 = arith.index_cast %get3A_409 : i32 to index
        %get3A_411 = arith.index_cast %add3A_408 : i32 to index
        %get3A_412 = tpu.vector_load %arg5[%get3A_410, %get3A_411] {strides = array<i32>} : memref<2x8192xi32, #tpu.memory_space<vmem>>, vector<1x16xi32>,
        %get3A_413 = vector.shape_cast %get3A_412 : vector<1x16xi32> to vector<16xi32>
        %sub3A_414 = vector.broadcast %mul3A_70 : i32 to vector<16xi32>
        %sub3A_415 = arith.subi %get3A_413, %sub3A_414 : vector<16xi32>
        %ge3A_416 = arith.constant 0 : i32
        %ge3A_417 = vector.broadcast %ge3A_416 : i32 to vector<16xi32>
        %ge3A_418 = arith.cmpi sge, %sub3A_415, %ge3A_417 : vector<16xi32>
        %lt3A_419 = arith.constant 524288 : i32
        %lt3A_420 = vector.broadcast %lt3A_419 : i32 to vector<16xi32>
        %lt3A_421 = arith.cmpi slt, %sub3A_415, %lt3A_420 : vector<16xi32>
        %and3A_422 = arith.andi %ge3A_418, %lt3A_421 : vector<16xi1>
        %and3A_423 = arith.constant 8191 : i32
        %and3A_424 = arith.andi %add3A_408, %and3A_423 : i32
        %add3A_425 = arith.constant 524288 : i32
        %add3A_426 = arith.addi %add3A_425, %and3A_424 : i32
        %broadcast_in_dim3A_427 = vector.broadcast %add3A_426 : i32 to vector<16xi32>
        %select_n3A_428 = arith.select %and3A_422, %sub3A_415, %broadcast_in_dim3A_427 : vector<16xi1>, vector<16xi32>
        %swap3A_429 = arith.index_cast %add3A_408 : i32 to index
        %swap3A_430 = tpu.vector_load %arg7[%swap3A_429] {strides = array<i32>} : memref<8192xi32, #tpu.memory_space<vmem>>, vector<16xi32>,
        %swap3A_431 = vector.shape_cast %swap3A_430 : vector<16xi32> to vector<16xi32>
        %swap3A_432 = vector.shape_cast %select_n3A_428 : vector<16xi32> to vector<16xi32>
        tpu.vector_store %arg7[%swap3A_429], %swap3A_432 {strides = array<i32>} : memref<8192xi32, #tpu.memory_space<vmem>>, vector<16xi32>,
      }
      %scan3A_198 = arith.constant 64 : i32
      %dma_start3A_199 = arith.constant 1 : i32
      %dma_start3A_200 = arith.constant 0 : i32
      %dma_start3A_201 = tpu.memref_slice %arg9[%dma_start3A_200] : memref<532480xf32, #tpu.memory_space<vmem_shared>> -> memref<532480xf32, #tpu.memory_space<vmem_shared>>
      %dma_start3A_202 = tpu.memref_slice %arg11[%dma_start3A_199] : memref<2x!tpu.dma_semaphore, #tpu.memory_space<semaphore_mem>> -> memref<1x!tpu.dma_semaphore, #tpu.memory_space<semaphore_mem>>
      %dma_start3A_203 = tpu.memref_squeeze %dma_start3A_202 : memref<1x!tpu.dma_semaphore, #tpu.memory_space<semaphore_mem>> -> memref<!tpu.dma_semaphore, #tpu.memory_space<semaphore_mem>>
      tpu.enqueue_indirect_dma source(%arg8 : memref<8192xf32, #tpu.memory_space<vmem>>) target(%dma_start3A_201 : memref<532480xf32, #tpu.memory_space<vmem_shared>>) offsets(%arg7 : memref<8192xi32, #tpu.memory_space<vmem>>) semaphore(%dma_start3A_203 : memref<!tpu.dma_semaphore, #tpu.memory_space<semaphore_mem>>)
      %add3A_204 = arith.constant 1 : i32
      %add3A_205 = arith.addi %add3A_134, %add3A_204 : i32
      %lt3A_206 = arith.constant 8 : i32
      %lt3A_207 = arith.cmpi slt, %add3A_205, %lt3A_206 : i32
      %convert_element_type3A_208 = arith.extui %lt3A_207 : i1 to i32
      %cond3A_209 = arith.constant 0 : i32
      %cond3A_210 = arith.cmpi ne, %convert_element_type3A_208, %cond3A_209 : i32
      scf.if %cond3A_210 {
        %add3A_211 = arith.constant 2 : i32
        %add3A_212 = arith.addi %add3A_174, %add3A_211 : i32
        %mul3A_213 = arith.constant 131072 : i32
        %mul3A_214 = arith.muli %arg1, %mul3A_213 : i32
        %mul3A_215 = arith.constant 8192 : i32
        %mul3A_216 = arith.muli %add3A_212, %mul3A_215 : i32
        %add3A_217 = arith.addi %mul3A_214, %mul3A_216 : i32
        %dma_start3A_218 = arith.constant 1 : i32
        %dma_start3A_219 = arith.constant 1 : i32
        %dma_start3A_220 = arith.constant 0 : i32
        %dma_start3A_221 = tpu.memref_slice %arg5[%dma_start3A_218, %dma_start3A_220] : memref<2x8192xi32, #tpu.memory_space<vmem>> -> memref<1x8192xi32, #tpu.memory_space<vmem>>
        %dma_start3A_222 = tpu.memref_squeeze %dma_start3A_221 : memref<1x8192xi32, #tpu.memory_space<vmem>> -> memref<8192xi32, #tpu.memory_space<vmem>>
        %dma_start3A_223 = tpu.memref_slice %arg2[%add3A_217] : memref<2097152xi32, #tpu.memory_space<hbm>> -> memref<8192xi32, #tpu.memory_space<hbm>>
        %dma_start3A_224 = tpu.memref_slice %arg10[%dma_start3A_219] : memref<2x!tpu.dma_semaphore, #tpu.memory_space<semaphore_mem>> -> memref<1x!tpu.dma_semaphore, #tpu.memory_space<semaphore_mem>>
        %dma_start3A_225 = tpu.memref_squeeze %dma_start3A_224 : memref<1x!tpu.dma_semaphore, #tpu.memory_space<semaphore_mem>> -> memref<!tpu.dma_semaphore, #tpu.memory_space<semaphore_mem>>
        %dma_start3A_226 = arith.constant 0 : i32
        %dma_start3A_227 = tpu.memref_slice %arg5[%dma_start3A_218, %dma_start3A_226] : memref<2x8192xi32, #tpu.memory_space<vmem>> -> memref<1x8192xi32, #tpu.memory_space<vmem>>
        %dma_start3A_228 = tpu.memref_squeeze %dma_start3A_227 : memref<1x8192xi32, #tpu.memory_space<vmem>> -> memref<8192xi32, #tpu.memory_space<vmem>>
        %dma_start3A_229 = tpu.memref_slice %arg2[%add3A_217] : memref<2097152xi32, #tpu.memory_space<hbm>> -> memref<8192xi32, #tpu.memory_space<hbm>>
        tpu.enqueue_dma source(%dma_start3A_229 : memref<8192xi32, #tpu.memory_space<hbm>>) target(%dma_start3A_228 : memref<8192xi32, #tpu.memory_space<vmem>>) target_semaphore(%dma_start3A_225 : memref<!tpu.dma_semaphore, #tpu.memory_space<semaphore_mem>>)
      } else {
      }
    }
    %scan3A_113 = arith.constant 8 : i32
    %dma_wait3A_114 = arith.constant 0 : i32
    %dma_wait3A_115 = arith.constant 0 : i32
    %dma_wait3A_116 = tpu.memref_slice %arg9[%dma_wait3A_115] : memref<532480xf32, #tpu.memory_space<vmem_shared>> -> memref<532480xf32, #tpu.memory_space<vmem_shared>>
    %dma_wait3A_117 = tpu.memref_slice %arg11[%dma_wait3A_114] : memref<2x!tpu.dma_semaphore, #tpu.memory_space<semaphore_mem>> -> memref<1x!tpu.dma_semaphore, #tpu.memory_space<semaphore_mem>>
    %dma_wait3A_118 = tpu.memref_squeeze %dma_wait3A_117 : memref<1x!tpu.dma_semaphore, #tpu.memory_space<semaphore_mem>> -> memref<!tpu.dma_semaphore, #tpu.memory_space<semaphore_mem>>
    tpu.wait_indirect_dma semaphore(%dma_wait3A_118 : memref<!tpu.dma_semaphore, #tpu.memory_space<semaphore_mem>>) src(%arg8 : memref<8192xf32, #tpu.memory_space<vmem>>) dst(%dma_wait3A_116 : memref<532480xf32, #tpu.memory_space<vmem_shared>>)
    %dma_wait3A_119 = arith.constant 1 : i32
    %dma_wait3A_120 = arith.constant 0 : i32
    %dma_wait3A_121 = tpu.memref_slice %arg9[%dma_wait3A_120] : memref<532480xf32, #tpu.memory_space<vmem_shared>> -> memref<532480xf32, #tpu.memory_space<vmem_shared>>
    %dma_wait3A_122 = tpu.memref_slice %arg11[%dma_wait3A_119] : memref<2x!tpu.dma_semaphore, #tpu.memory_space<semaphore_mem>> -> memref<1x!tpu.dma_semaphore, #tpu.memory_space<semaphore_mem>>
    %dma_wait3A_123 = tpu.memref_squeeze %dma_wait3A_122 : memref<1x!tpu.dma_semaphore, #tpu.memory_space<semaphore_mem>> -> memref<!tpu.dma_semaphore, #tpu.memory_space<semaphore_mem>>
    tpu.wait_indirect_dma semaphore(%dma_wait3A_123 : memref<!tpu.dma_semaphore, #tpu.memory_space<semaphore_mem>>) src(%arg8 : memref<8192xf32, #tpu.memory_space<vmem>>) dst(%dma_wait3A_121 : memref<532480xf32, #tpu.memory_space<vmem_shared>>)
    %barrier3A_124 = arith.constant 0 : index
    tpu.barrier barrier_id(%barrier3A_124)
    %mul3A_125 = arith.constant 32768 : i32
    %mul3A_126 = arith.muli %arg1, %mul3A_125 : i32
    %mul3A_127 = arith.constant 32768 : i32
    %mul3A_128 = arith.muli %arg1, %mul3A_127 : i32
    %add3A_129 = arith.addi %mul3A_70, %mul3A_128 : i32
    "tpu.region"() ({
      %run_scoped3A = tpu.sem_alloc : memref<!tpu.dma_semaphore, #tpu.memory_space<semaphore_mem>>
      %dma_start3A_130 = tpu.memref_slice %arg4[%add3A_129] : memref<2097152xf32, #tpu.memory_space<hbm>> -> memref<32768xf32, #tpu.memory_space<hbm>>
      %dma_start3A_131 = tpu.memref_slice %arg9[%mul3A_126] : memref<532480xf32, #tpu.memory_space<vmem_shared>> -> memref<32768xf32, #tpu.memory_space<vmem_shared>>
      tpu.enqueue_dma source(%dma_start3A_131 : memref<32768xf32, #tpu.memory_space<vmem_shared>>) target(%dma_start3A_130 : memref<32768xf32, #tpu.memory_space<hbm>>) target_semaphore(%run_scoped3A : memref<!tpu.dma_semaphore, #tpu.memory_space<semaphore_mem>>)
      %dma_wait3A_132 = tpu.memref_slice %arg4[%add3A_129] : memref<2097152xf32, #tpu.memory_space<hbm>> -> memref<32768xf32, #tpu.memory_space<hbm>>
      %dma_wait3A_133 = tpu.memref_slice %arg9[%mul3A_126] : memref<532480xf32, #tpu.memory_space<vmem_shared>> -> memref<32768xf32, #tpu.memory_space<vmem_shared>>
      tpu.wait_dma2 semaphore(%run_scoped3A : memref<!tpu.dma_semaphore, #tpu.memory_space<semaphore_mem>>) src(%dma_wait3A_133 : memref<32768xf32, #tpu.memory_space<vmem_shared>>) dst(%dma_wait3A_132 : memref<32768xf32, #tpu.memory_space<hbm>>)
      tpu.yield
    }) : () -> ()
    return
  }
}

module attributes {stable_mosaic.version = 14 : i64} {
  func.func @_idx_body(%arg0: i32, %arg1: memref<65536xf32, #tpu.memory_space<vmem>>, %arg2: memref<65536xf32, #tpu.memory_space<vmem>>, %arg3: memref<65536xf32, #tpu.memory_space<vmem>>, %arg4: memref<65536xf32, #tpu.memory_space<vmem>>, %arg5: memref<65536xi32, #tpu.memory_space<vmem>>) attributes {dimension_semantics = [#tpu.dimension_semantics<arbitrary>], iteration_bounds = array<i64: 32>, scalar_prefetch = 0 : i64, scratch_operands = 0 : i64, tpu.core_type = #tpu.core_type<tc>, window_params = [{transform_indices = @transform_0, window_bounds = array<i64: 65536>}, {transform_indices = @transform_1, window_bounds = array<i64: 65536>}, {transform_indices = @transform_2, window_bounds = array<i64: 65536>}, {transform_indices = @transform_3, window_bounds = array<i64: 65536>}, {transform_indices = @transform_4, window_bounds = array<i64: 65536>}]} {
    %get3A = arith.constant 0 : index
    %get3A_0 = vector.load %arg1[%get3A] : memref<65536xf32, #tpu.memory_space<vmem>>, vector<65536xf32>
    %mul3A = arith.constant 1.270000e+02 : f32
    %mul3A_1 = vector.broadcast %mul3A : f32 to vector<65536xf32>
    %mul3A_2 = arith.mulf %get3A_0, %mul3A_1 : vector<65536xf32>
    %convert_element_type3A = arith.fptosi %mul3A_2 : vector<65536xf32> to vector<65536xi32>
    %jit3A = arith.constant 0 : i32
    %jit3A_3 = arith.constant 127 : i32
    %max3A = vector.broadcast %jit3A : i32 to vector<65536xi32>
    %max3A_4 = arith.maxsi %max3A, %convert_element_type3A : vector<65536xi32>
    %min3A = vector.broadcast %jit3A_3 : i32 to vector<65536xi32>
    %min3A_5 = arith.minsi %min3A, %max3A_4 : vector<65536xi32>
    %get3A_6 = arith.constant 0 : index
    %get3A_7 = vector.load %arg2[%get3A_6] : memref<65536xf32, #tpu.memory_space<vmem>>, vector<65536xf32>
    %mul3A_8 = arith.constant 1.270000e+02 : f32
    %mul3A_9 = vector.broadcast %mul3A_8 : f32 to vector<65536xf32>
    %mul3A_10 = arith.mulf %get3A_7, %mul3A_9 : vector<65536xf32>
    %convert_element_type3A_11 = arith.fptosi %mul3A_10 : vector<65536xf32> to vector<65536xi32>
    %jit3A_12 = arith.constant 0 : i32
    %jit3A_13 = arith.constant 127 : i32
    %max3A_14 = vector.broadcast %jit3A_12 : i32 to vector<65536xi32>
    %max3A_15 = arith.maxsi %max3A_14, %convert_element_type3A_11 : vector<65536xi32>
    %min3A_16 = vector.broadcast %jit3A_13 : i32 to vector<65536xi32>
    %min3A_17 = arith.minsi %min3A_16, %max3A_15 : vector<65536xi32>
    %get3A_18 = arith.constant 0 : index
    %get3A_19 = vector.load %arg3[%get3A_18] : memref<65536xf32, #tpu.memory_space<vmem>>, vector<65536xf32>
    %mul3A_20 = arith.constant 1.270000e+02 : f32
    %mul3A_21 = vector.broadcast %mul3A_20 : f32 to vector<65536xf32>
    %mul3A_22 = arith.mulf %get3A_19, %mul3A_21 : vector<65536xf32>
    %convert_element_type3A_23 = arith.fptosi %mul3A_22 : vector<65536xf32> to vector<65536xi32>
    %jit3A_24 = arith.constant 0 : i32
    %jit3A_25 = arith.constant 127 : i32
    %max3A_26 = vector.broadcast %jit3A_24 : i32 to vector<65536xi32>
    %max3A_27 = arith.maxsi %max3A_26, %convert_element_type3A_23 : vector<65536xi32>
    %min3A_28 = vector.broadcast %jit3A_25 : i32 to vector<65536xi32>
    %min3A_29 = arith.minsi %min3A_28, %max3A_27 : vector<65536xi32>
    %mul3A_30 = arith.constant 128 : i32
    %mul3A_31 = vector.broadcast %mul3A_30 : i32 to vector<65536xi32>
    %mul3A_32 = arith.muli %min3A_5, %mul3A_31 : vector<65536xi32>
    %add3A = arith.addi %mul3A_32, %min3A_17 : vector<65536xi32>
    %mul3A_33 = arith.constant 128 : i32
    %mul3A_34 = vector.broadcast %mul3A_33 : i32 to vector<65536xi32>
    %mul3A_35 = arith.muli %add3A, %mul3A_34 : vector<65536xi32>
    %add3A_36 = arith.addi %mul3A_35, %min3A_29 : vector<65536xi32>
    %get3A_37 = arith.constant 0 : index
    %get3A_38 = vector.load %arg4[%get3A_37] : memref<65536xf32, #tpu.memory_space<vmem>>, vector<65536xf32>
    %gt3A = arith.constant 0.00999999977 : f32
    %gt3A_39 = vector.broadcast %gt3A : f32 to vector<65536xf32>
    %gt3A_40 = arith.cmpf ogt, %get3A_38, %gt3A_39 : vector<65536xf32>
    %jit3A_41 = arith.constant 4194304 : i32
    %broadcast_in_dim3A = vector.broadcast %jit3A_41 : i32 to vector<65536xi32>
    %select_n3A = arith.select %gt3A_40, %add3A_36, %broadcast_in_dim3A : vector<65536xi1>, vector<65536xi32>
    %swap3A = arith.constant 0 : index
    %swap3A_42 = vector.load %arg5[%swap3A] : memref<65536xi32, #tpu.memory_space<vmem>>, vector<65536xi32>
    tpu.vector_store %arg5[%swap3A], %select_n3A {strides = array<i32>} : memref<65536xi32, #tpu.memory_space<vmem>>, vector<65536xi32>,
    return
  }
  func.func @transform_0(%arg0: i32) -> i32 {
    %c0_i32 = arith.constant 0 : i32
    return %arg0 : i32
  }
  func.func @transform_1(%arg0: i32) -> i32 {
    %c0_i32 = arith.constant 0 : i32
    return %arg0 : i32
  }
  func.func @transform_2(%arg0: i32) -> i32 {
    %c0_i32 = arith.constant 0 : i32
    return %arg0 : i32
  }
  func.func @transform_3(%arg0: i32) -> i32 {
    %c0_i32 = arith.constant 0 : i32
    return %arg0 : i32
  }
  func.func @transform_4(%arg0: i32) -> i32 {
    %c0_i32 = arith.constant 0 : i32
    return %arg0 : i32
  }
}

</mosaic_0001>

<sc_bundles>
// kernel: kernel.4.cloned.1.call-start
scs
__scs_entry_jumppad:
0x0: {  	(pc) =	sbr.rel $0x88, $3  }
0x1: {  	(tag) =	ssettag $0x0;
	lr =	simm.s32 $0x1  }
0x2: {  	[smem:$0x3F9E] =	sst lr;
	_ =	strace $0xD0000000  }
0x3: {  	_ = 	snop  }
0x4: {  	_ = 	snop  }
0x5: {  	_ = 	snop  }
0x6: {  	_ = 	snop  }
0x7: {  	_ = 	snop  }
__scs_overlays_trampoline_lowered:
0x8: {  	[smem:$0x3FAD] =	sst s0  }
0x9: {  	[smem:$0x3FAE] =	sst s1  }
0xa: {  	[smem:$0x3FAF] =	sst s2  }
0xb: {  	[smem:$0x3FB0] =	sst s3  }
0xc: {  	[smem:$0x3FB1] =	sst s4  }
0xd: {  	[smem:$0x3FB2] =	sst s5  }
0xe: {  	[smem:$0x3FB3] =	sst s6  }
0xf: {  	[smem:$0x3FB4] =	sst s7  }
0x10: {  	[smem:$0x3FB5] =	sst s8  }
0x11: {  	[smem:$0x3FB6] =	sst s9;
	s0 =	simm.s32 @!p0 $0x0  }
0x12: {  	s1 =	sld [smem:$0x3F9C];
	s0 =	simm.s32 @p0 $0x1  }
0x13: {  	[smem:$0x3FB7] =	sst s0;
	s0 =	simm.s32 @!p1 $0x0  }
0x14: {  	s2 =	sld [smem:$0x3F9B];
	s0 =	simm.s32 @p1 $0x1  }
0x15: {  	[smem:$0x3FB8] =	sst s0;
	s0 =	simm.s32 @!p2 $0x0  }
0x16: {  	s3 =	sld [smem:$0x3FDB];
	s0 =	simm.s32 @p2 $0x1  }
0x17: {  	s4 =	simm.s32 $0x1BF5;
	[smem:$0x3FBA] =	sst s0  }
0x18: {  	s0 =	sld [smem:$0x3F9D];
	_ =	swait.ge [sflag:s4], $0x0  }
0x19: {  	s7 =	sld [smem:$0x3F9E]  }
0x1a: {  	s8 =	sadd.s32 $0xFFFFE003, lr  }
0x1b: {  	s9 =	sadd.s32 $0xFFFFFEF7, lr;
	s5 =	simm.s32 $0xFFFFFFFF;
	p2 =	slt.u32 s8, $0xFFFFF086  }
0x1c: {  	p1 =	slt.u32 s9, $0xF7A;
	s5 =	simm.s32 @!p2 $0x0  }
0x1d: {  	s5 =	simm.s32 @p1 $0x1;
	p0 =	seq.s32 s7, s2  }
0x1e: {  	s7 =	smul.u32 @!p0 $0xF7A, s2;
	p2 =	seq.s32 @!p0 s5, $0x0  }
0x1f: {  	s9 =	smul.u32 $0xF7A, s1;
	s8 =	simm.s32 @!p0 $0x1BF5;
	p2 =	por !p2, p0  }
0x20: {  	[sflag:s8] =	ssyncset.s32 @!p0 $0xFFFFF086;
	s6 =	sadd.s32 @!p0 s3, s7;
	s7 =	simm.s32 @!p0 $0x108  }
0x21: {  	s3 =	sadd.s32 s3, s9;
	s6 =	sadd.s32 @!p0 $0x88, s6;
	s7 =	simm.s32 @p2 $0x1082  }
0x22: {  	[simem:s7], [sflag:s8] =	dma.local @!p0 [hbm:s6], $0xF7A  }
0x23: {  	s9 =	sor.u32 $0xD0000000, s2;
	s6 =	simm.s32 $0x108;
	_ =	swait.ge @!p0 [sflag:s8], $0x0  }
0x24: {  	s3 =	sadd.s32 $0x88, s3;
	s6 =	simm.s32 @!p1 $0x1082;
	[sflag:s4] =	ssyncset.s32 $0xFFFFF086  }
0x25: {  	[simem:s6], [sflag:s4] =	dma.local [hbm:s3], $0xF7A  }
0x26: {  	[smem:$0x3F9E] =	sst s1;
	(tag) =	ssettag s2;
	_ =	strace s9  }
0x27: {  	s1 =	sld [smem:$0x3FAE]  }
0x28: {  	s2 =	sld [smem:$0x3FAF]  }
0x29: {  	s4 =	sld [smem:$0x3FB1]  }
0x2a: {  	p0 =	seq.s32 s5, $0x0;
	s5 =	sld [smem:$0x3FB2]  }
0x2b: {  	s6 =	sld [smem:$0x3FB3]  }
0x2c: {  	s7 =	sld [smem:$0x3FB4]  }
0x2d: {  	s3 =	simm.s32 $0x108;
	s8 =	sld [smem:$0x3FB5]  }
0x2e: {  	s3 =	simm.s32 @!p0 $0x1082;
	s9 =	sld [smem:$0x3FB6]  }
0x2f: {  	lr =	sadd.s32 s0, s3;
	s0 =	sld [smem:$0x3FAD]  }
0x30: {  	s3 =	sld [smem:$0x3FB0]  }
0x31: {  	[smem:$0x3FB9] =	sst s10  }
0x32: {  	s10 =	sld [smem:$0x3FB7];
	_ =	sdelay $0x3  }
0x33: {  	p0 =	seq.s32 s10, $0x1;
	s10 =	sld [smem:$0x3FB9];
	_ =	sdelay $0x3  }
0x34: {  	[smem:$0x3FB9] =	sst s10  }
0x35: {  	s10 =	sld [smem:$0x3FB8];
	_ =	sdelay $0x3  }
0x36: {  	p1 =	seq.s32 s10, $0x1;
	s10 =	sld [smem:$0x3FB9];
	_ =	sdelay $0x3  }
0x37: {  	[smem:$0x3FB9] =	sst s10  }
0x38: {  	s10 =	sld [smem:$0x3FBA]  }
0x39: {  	_ = 	snop;
	(pc) =	sbr.ind lr, $3  }
0x3a: {  	_ = 	snop  }
0x3b: {  	_ = 	snop  }
0x3c: {  	p2 =	seq.s32 s10, $0x1;
	s10 =	sld [smem:$0x3FB9]  }
0x3d: {  	_ =	shalt  }
0x3e: {  	_ =	shalt  }
0x3f: {  	_ =	shalt  }
0x40: {  	_ =	shalt  }
0x41: {  	_ =	shalt  }
0x42: {  	_ =	shalt  }
0x43: {  	_ =	shalt  }
0x44: {  	_ =	shalt  }
0x45: {  	_ =	shalt  }
0x46: {  	_ =	shalt  }
0x47: {  	_ =	shalt  }
0x48: {  	_ =	shalt  }
0x49: {  	_ =	shalt  }
0x4a: {  	_ =	shalt  }
0x4b: {  	_ =	shalt  }
0x4c: {  	_ =	shalt  }
0x4d: {  	_ =	shalt  }
0x4e: {  	_ =	shalt  }
0x4f: {  	_ =	shalt  }
0x50: {  	_ =	shalt  }
0x51: {  	_ =	shalt  }
0x52: {  	_ =	shalt  }
0x53: {  	_ =	shalt  }
0x54: {  	_ =	shalt  }
0x55: {  	_ =	shalt  }
0x56: {  	_ =	shalt  }
0x57: {  	_ =	shalt  }
0x58: {  	_ =	shalt  }
0x59: {  	_ =	shalt  }
0x5a: {  	_ =	shalt  }
0x5b: {  	_ =	shalt  }
0x5c: {  	_ =	shalt  }
0x5d: {  	_ =	shalt  }
0x5e: {  	_ =	shalt  }
0x5f: {  	_ =	shalt  }
0x60: {  	_ =	shalt  }
0x61: {  	_ =	shalt  }
0x62: {  	_ =	shalt  }
0x63: {  	_ =	shalt  }
0x64: {  	_ =	shalt  }
0x65: {  	_ =	shalt  }
0x66: {  	_ =	shalt  }
0x67: {  	_ =	shalt  }
0x68: {  	_ =	shalt  }
0x69: {  	_ =	shalt  }
0x6a: {  	_ =	shalt  }
0x6b: {  	_ =	shalt  }
0x6c: {  	_ =	shalt  }
0x6d: {  	_ =	shalt  }
0x6e: {  	_ =	shalt  }
0x6f: {  	_ =	shalt  }
0x70: {  	_ =	shalt  }
0x71: {  	_ =	shalt  }
0x72: {  	_ =	shalt  }
0x73: {  	_ =	shalt  }
0x74: {  	_ =	shalt  }
0x75: {  	_ =	shalt  }
0x76: {  	_ =	shalt  }
0x77: {  	_ =	shalt  }
0x78: {  	_ =	shalt  }
0x79: {  	_ =	shalt  }
0x7a: {  	_ =	shalt  }
0x7b: {  	_ =	shalt  }
0x7c: {  	_ =	shalt  }
0x7d: {  	_ =	shalt  }
0x7e: {  	_ =	shalt  }
0x7f: {  	_ =	shalt  }
0x80: {  	_ =	shalt  }
0x81: {  	_ =	shalt  }
0x82: {  	_ =	shalt  }
0x83: {  	_ =	shalt  }
0x84: {  	_ =	shalt  }
0x85: {  	_ =	shalt  }
0x86: {  	_ =	shalt  }
0x87: {  	_ =	shalt  }
.Lfunc_end0:
.L_simem_size_0:
called_computation_lowered:
.L_overlay_start_0:
0x88: {  	s2 =	sld [smem:$0x3FD9]  }
0x89: {  	s3 =	sld [smem:$0x3FFE];
	_ =	sdelay $0x1  }
0x8a: {  	s1 =	srdreg.scid  }
0x8b: {  	s0 =	sand.u32 $0x1, s1  }
0x8c: {  	s17 =	sshll.u32 s0, $0xA;
	s2 =	sadd.s32 s3, s2  }
0x8d: {  	s2 =	sadd.s32 s2, s17  }
0x8e: {  	[smem:$0x3FC5] =	sst s2  }
0x8f: {  	_ = 	snop  }
0x90: {  	s2 =	sld [smem:$0x3FC7]  }
0x91: {  	s18 =	sld [smem:$0x3FD0];
	(tm) =	ssettm $0x1  }
0x92: {  	s4 =	sld [smem:$0x3FFB];
	_ =	sdelay $0x3  }
0x93: {  	_ =	strace s4  }
0x94: {  	s4 =	sld [smem:$0x3FFC];
	_ =	sdelay $0x3  }
0x95: {  	_ =	strace s4  }
0x96: {  	s4 =	sld [smem:$0x3FFD];
	_ =	sdelay $0x3  }
0x97: {  	_ =	strace s4  }
0x98: {  	_ =	strace $0x8FFFFFFF  }
0x99: {  	s19 =	sld [smem:$0x3FDB];
	_ =	sdelay $0x1  }
0x9a: {  	s5 =	simm.s32 $_scs_section_size  }
0x9b: {  	s6 =	simm.s32 $_size__tile_overlayer_lowered;
	s7 =	simm.s32 $_tile_overlayer_lowered  }
0x9c: {  	s22 =	simm.s32 $0x1BFF;
	s21 =	sshll.u32 s7, $0x1;
	s4 =	sadd.s32 s5, s19  }
0x9d: {  	s8 =	simm.s32 $0x0;
	s20 =	sshll.u32 s6, $0x1;
	s6 =	sadd.s32 s21, s4  }
0x9e: {  	[timem:s8], [sflag:s22] =	dma.local [hbm:s6], s20  }
0x9f: {  	_ =	swait.ge [sflag:s22], s20  }
0xa0: {  	s5 =	ssub.s32 $0x0, s20;
	[sflag:s22] =	ssyncset.done $0x0  }
0xa1: {  	[sflag:s22] =	ssyncadd.s32 s5;
	_ =	sdelay $0x1  }
0xa2: {  	s23 =	simm.s32 $0x1B8B  }
0xa3: {  	_ =	swait.ge [sflag:s23], $0x1  }
0xa4: {  	[sflag:s23] =	ssyncset.done $0x0  }
0xa5: {  	s25 =	simm.s32 $0x1B8E;
	s24 =	sld [smem:$0x3FFE];
	[sflag:s23] =	ssyncadd.s32 $0xFFFFFFFF  }
0xa6: {  	s26 =	simm.s32 $execute0_lowered;
	[smem:$0x3FD2] =	sst s25  }
0xa7: {  	s6 =	sshll.u32 s26, $0x1;
	_ =	strace $0x80000046;
	[dreg:$0x1] =	wrdreg $0xFFFFFFFF  }
0xa8: {  	s28 =	simm.s32 $_size_execute0_lowered;
	s4 =	sadd.s32 s4, s6;
	[dreg:$0x0] =	wrdreg $0x0  }
0xa9: {  	s6 =	sshll.u32 s28, $0x1;
	[dreg:$0x2] =	wrdreg s4  }
0xaa: {  	[dreg:$0x3] =	wrdreg s6  }
0xab: {  	[dreg:$0x4] =	wrdreg $0xC0  }
0xac: {  	_ =	task [dreg:s8], $0x5FFFF  }
0xad: {  	[dreg:$0x1] =	wrdreg $0xFFFFFFFF  }
0xae: {  	[dreg:$0x0] =	wrdreg $0x60  }
0xaf: {  	[dreg:$0x2] =	wrdreg s24  }
0xb0: {  	[dreg:$0x3] =	wrdreg s2  }
0xb1: {  	[dreg:$0x4] =	wrdreg s18  }
0xb2: {  	[dreg:$0x5] =	wrdreg $0xA0000  }
0xb3: {  	[dreg:$0x6] =	wrdreg $0x9  }
0xb4: {  	_ =	task.clear_ibuf [dreg:s8], $0x7FFFF;
	_ =	strace $0x90000046  }
0xb5: {  	s29 =	simm.s32 $0x9;
	_ =	strace $0x80000048  }
0xb6: {  	_ =	swait.ge [sflag:s29], $0x1  }
0xb7: {  	[sflag:s29] =	ssyncadd.s32 $0xFFFFFFFF  }
0xb8: {  	_ =	strace $0x90000048  }
0xb9: {  	_ =	sfence  }
0xba: {  	s30 =	sld [smem:$0x0];
	_ =	sdelay $0x2  }
0xbb: {  	s31 =	sshll.u32 s1, $0xD;
	s1 =	sshrl.u32 s1, $0x2  }
0xbc: {  	s3 =	sand.u32 $0x4000, s31;
	s1 =	sadd.s32 s1, s30  }
0xbd: {  	s0 =	sor.u32 s3, s0;
	s1 =	sshll.u32 s1, $0x11  }
0xbe: {  	s0 =	sor.u32 s1, s0  }
0xbf: {  	s0 =	sadd.s32 $0x8F2B, s0  }
0xc0: {  	[sflag:s0] =	ssyncadd.remote.s32 $0x1  }
0xc1: {  	_ =	sfence.sel $0xFFFF  }
0xc2: {  	[dreg:$0x0] =	wrdreg $0xFFFFFFFF;
	(pc) =	sbr.abs _section_cstart, $3  }
0xc3: {  	[dreg:$0x1] =	wrdreg $0xFFFFFFFF  }
0xc4: {  	_ =	task.clear_ibuf [dreg:s8], $0x2FFFF;
	_ =	strace $0x9FFFFFFF  }
0xc5: {  	(tm) =	ssettm $0x7FFFFFFF  }
tec
execute0_lowered:
.L_overlay_start_1:
0x0: {  	(tag) =	ssettag $0x1  }
0x1: {  	s0 =	rddreg [dreg:$0x0]  }
0x2: {  	s2 =	rddreg [dreg:$0x1]  }
0x3: {  	s13 =	rddreg [dreg:$0x2]  }
0x4: {  	s1 =	rddreg [dreg:$0x3];
	s3 =	simm.s32 $0x0;
	s4 =	srdreg.scid  }
0x5: {  	s8 =	stileid.u32;
	s16 =	simm.s32 $0x5;
	s17 =	simm.s32 $0x1  }
0x6: {  	s18 =	simm.s32 $0x2000;
	s19 =	simm.s32 $0x4000;
	s20 =	simm.s32 $0x8000  }
0x7: {  	s21 =	simm.s32 $0x2;
	s22 =	simm.s32 $0x4;
	s25 =	simm.s32 $0x0  }
0x8: {  	[smem:$0x7FF] =	sst s3;
	s4 =	sand.u32 $0x1, s4;
	s9 =	sshll.u32 s8, $0xF  }
0x9: {  	s31 =	sshll.u32 s8, $0x6;
	s7 =	sshll.u32 s8, $0xE;
	s10 =	sshll.u32 s8, $0x11  }
0xa: {  	_ =	strace $0x80000047;
	s5 =	ssub.s32 $0x2, s4;
	s23 =	sshll.u32 s4, $0x14  }
0xb: {  	s4 =	sadd.s32 $0x800, s0;
	s15 =	sadd.s32 s9, s1;
	s29 =	sshrl.u32 s5, $0x1  }
0xc: {  	s6 =	sor.u32 s9, s23;
	s7 =	sadd.s32 s4, s7;
	s24 =	sor.u32 $0x80000, s23  }
0xd: {  	s15 =	sshrl.u32 s15, $0x3;
	v0 =	vmov s23;
	s23 =	simm.s32 $0x6000;
	s0 =	ssub.s32 s5, s29  }
.Ltmp0:
0xe: {  	s11 =	sshrl.u32 s6, $0x3;
	s6 =	sor.u32 $0x1C05, s31;
	(pc) =	sbr.rel .LBB2_1-.Ltmp0, $4  }
0xf: {  	s8 =	sadd.s32 $0x400, s7;
	s12 =	sor.u32 s9, s24;
	s9 =	sor.u32 $0x4000, s10  }
0x10: {  	s10 =	sor.u32 $0x6000, s10;
	v1 =	vmov s24;
	s24 =	simm.s32 $0x3;
	s30 =	sadd.s32 s2, s11  }
0x11: {  	s14 =	sshrl.u32 s12, $0x3;
	s11 =	sadd.s32 s13, s11;
	[dreg:$0x5] =	wrdreg s30  }
0x12: {  	v2 =	vimm.f32 $1.000000000e+00;
	s12 =	sadd.s32 s2, s14;
	s13 =	sadd.s32 s13, s14;
	s14 =	smax.u32 s0, $0x1  }
.LBB2_40:
0x13: {  	_ =	swait.ge [sflag:s24], $0x2000  }
0x14: {  	[sflag:s24] =	ssyncset.done $0x0  }
0x15: {  	[sflag:s24] =	ssyncadd.s32 $0xFFFFE000  }
0x16: {  	_ =	swait.ge [sflag:s22], $0x2000  }
0x17: {  	s25 =	sadd.s32 $0x1, s25;
	[sflag:s22] =	ssyncset.done $0x0  }
0x18: {  	p0 =	sne.s32 s25, s14;
	[sflag:s22] =	ssyncadd.s32 $0xFFFFE000  }
.Ltmp1:
0x19: {  	[bflag:$0x0] =	sbarrier.arrive $0xFFFF;
	(pc) =	sbr.rel @!p0 .LBB2_41-.Ltmp1, $4  }
0x1a: {  	[hbm:s13], [sflag:s6] =	dma.local [spmem:s15], $0x1000  }
0x1b: {  	_ =	swait.ge [sflag:s16], $0x1000  }
0x1c: {  	[sflag:s16] =	ssyncset.done $0x0  }
0x1d: {  	[sflag:s16] =	ssyncadd.s32 $0xFFFFF000  }
.LBB2_1:
0x1e: {  	s0 =	simm.s32 $0x40;
	s2 =	simm.s32 $0x0  }
.LBB2_2:
0x1f: {  	p0 =	sne.s32 s0, $0x7FC0;
	[tilespmem:s2+$0x8000] =	vst v2;
	s2 =	smov.u32 s0;
	s0 =	sadd.s32 $0x40, s0  }
.Ltmp2:
0x20: {  	(pc) =	sbr.rel @p0 .LBB2_2-.Ltmp2, $2  }
0x21: {  	_ =	sdelay $0x2  }
0x22: {  	s2 =	sshra.s32 s2, $0x2  }
0x23: {  	[tilespmem:s2+$0x8000] =	vst v2;
	s0 =	rddreg [dreg:$0x5]  }
0x24: {  	[spmem:s15], [sflag:s6] =	dma.local [hbm:s0], $0x1000  }
0x25: {  	_ =	swait.ge [sflag:s16], $0x1000  }
0x26: {  	[sflag:s16] =	ssyncset.done $0x0  }
0x27: {  	s2 =	simm.s32 $0x10;
	s28 =	sadd.s32 $0x0, s7;
	[sflag:s16] =	ssyncadd.s32 $0xFFFFF000  }
0x28: {  	s26 =	simm.s32 $0x100;
	s0 =	simm.s32 $0x0;
	[bflag:$0x0] =	sbarrier.arrive $0xFFFF  }
.LBB2_4:
0x29: {  	[tilespmem:s0], [sflag:$0x1] =	stream.linear.gather [hbm4b:s28+s3], $0x80, $0x38;
	[tilespmem:$0x12200] =	vst v63  }
0x2a: {  	s28 =	smov.u32 s2;
	s0 =	smov.u32 s26;
	p0 =	sne.s32 s2, $0x3F0  }
.Ltmp3:
0x2b: {  	s2 =	sadd.s32 $0x10, s2;
	(pc) =	sbr.rel @p0 .LBB2_4-.Ltmp3, $2  }
0x2c: {  	_ =	sdelay $0x2  }
0x2d: {  	s26 =	sadd.s32 $0x100, s26;
	s28 =	sadd.s32 s28, s7  }
0x2e: {  	[tilespmem:s0], [sflag:$0x1] =	stream.linear.gather [hbm4b:s28+s3], $0x80, $0x38;
	[tilespmem:$0x12200] =	vst v63  }
0x2f: {  	s26 =	simm.s32 $0x0;
	s0 =	simm.s32 $0x80  }
0x30: {  	s2 =	simm.s32 $0x10;
	s29 =	sadd.s32 $0x0, s8;
	s28 =	simm.s32 $0x180  }
.LBB2_6:
0x31: {  	[tilespmem:s0], [sflag:$0x2] =	stream.linear.gather [hbm4b:s29+s26], $0x80, $0x38;
	[tilespmem:$0x12200] =	vst v63  }
0x32: {  	s29 =	smov.u32 s2;
	s0 =	smov.u32 s28;
	p0 =	sne.s32 s2, $0x3F0  }
.Ltmp4:
0x33: {  	s2 =	sadd.s32 $0x10, s2;
	(pc) =	sbr.rel @p0 .LBB2_6-.Ltmp4, $2  }
0x34: {  	_ =	sdelay $0x2  }
0x35: {  	s28 =	sadd.s32 $0x100, s28;
	s29 =	sadd.s32 s29, s8  }
0x36: {  	[tilespmem:s0], [sflag:$0x2] =	stream.linear.gather [hbm4b:s29+s26], $0x80, $0x38;
	[tilespmem:$0x12200] =	vst v63  }
.LBB2_8:
0x37: {  	_ =	swait.ge [sflag:s17], $0x2000  }
0x38: {  	p0 =	seq.s32 s26, $0x0;
	[sflag:s17] =	ssyncset.done $0x0  }
0x39: {  	s0 =	simm.s32 @!p0 $0x3;
	[sflag:s17] =	ssyncadd.s32 $0xFFFFE000  }
0x3a: {  	_ =	swait.ge @!p0 [sflag:s0], $0x2000  }
0x3b: {  	[sflag:s0] =	ssyncset.done @!p0 $0x0  }
0x3c: {  	[sflag:s0] =	ssyncadd.s32 @!p0 $0xFFFFE000;
	s0 =	simm.s32 $0x40  }
0x3d: {  	v3 =	vld [tilespmem:s0+$0xFFFFFFC0];
	_ =	sdelay $0x4  }
0x3e: {  	v3 =	vsub.s32 v3, v0  }
0x3f: {  	s2 =	simm.s32 $0x80000;
	vm0 =	vlt.u32 v3, $0x80000  }
0x40: {  	s29 =	simm.s32 $0x4040;
	v3 =	vnsel vm0, s2, v3  }
0x41: {  	[tilespmem:s29+$0xFFFFFFC0] =	vst v3  }
0x42: {  	v3 =	vld [tilespmem:s0+$0xFFFFFFD0];
	_ =	sdelay $0x4  }
0x43: {  	v3 =	vsub.s32 v3, v0  }
0x44: {  	s5 =	simm.s32 $0x80010;
	vm9 =	vlt.u32 v3, $0x80000  }
0x45: {  	v3 =	vnsel vm9, s5, v3  }
0x46: {  	[tilespmem:s29+$0xFFFFFFD0] =	vst v3  }
0x47: {  	v3 =	vld [tilespmem:s0+$0xFFFFFFE0];
	_ =	sdelay $0x4  }
0x48: {  	v3 =	vsub.s32 v3, v0  }
0x49: {  	s5 =	simm.s32 $0x80020;
	vm10 =	vlt.u32 v3, $0x80000  }
0x4a: {  	v3 =	vnsel vm10, s5, v3  }
0x4b: {  	[tilespmem:s29+$0xFFFFFFE0] =	vst v3  }
0x4c: {  	v3 =	vld [tilespmem:s0+$0xFFFFFFF0];
	_ =	sdelay $0x4  }
0x4d: {  	v3 =	vsub.s32 v3, v0  }
0x4e: {  	s5 =	simm.s32 $0x80030;
	vm11 =	vlt.u32 v3, $0x80000  }
0x4f: {  	v3 =	vnsel vm11, s5, v3  }
0x50: {  	[tilespmem:s29+$0xFFFFFFF0] =	vst v3  }
0x51: {  	v3 =	vld [tilespmem:s0+$0x0];
	_ =	sdelay $0x4  }
0x52: {  	v3 =	vsub.s32 v3, v0  }
0x53: {  	s5 =	simm.s32 $0x80040;
	vm12 =	vlt.u32 v3, $0x80000  }
0x54: {  	v3 =	vnsel vm12, s5, v3  }
0x55: {  	[tilespmem:s29+$0x0] =	vst v3  }
0x56: {  	v3 =	vld [tilespmem:s0+$0x10];
	_ =	sdelay $0x4  }
0x57: {  	v3 =	vsub.s32 v3, v0  }
0x58: {  	s5 =	simm.s32 $0x80050;
	vm13 =	vlt.u32 v3, $0x80000  }
0x59: {  	v3 =	vnsel vm13, s5, v3  }
0x5a: {  	[tilespmem:s29+$0x10] =	vst v3  }
0x5b: {  	v3 =	vld [tilespmem:s0+$0x20];
	_ =	sdelay $0x4  }
0x5c: {  	v3 =	vsub.s32 v3, v0  }
0x5d: {  	s5 =	simm.s32 $0x80060;
	vm14 =	vlt.u32 v3, $0x80000  }
0x5e: {  	v3 =	vnsel vm14, s5, v3  }
0x5f: {  	[tilespmem:s29+$0x20] =	vst v3  }
0x60: {  	v3 =	vld [tilespmem:s0+$0x30];
	_ =	sdelay $0x4  }
0x61: {  	v3 =	vsub.s32 v3, v0  }
0x62: {  	s5 =	simm.s32 $0x80070;
	vm15 =	vlt.u32 v3, $0x80000  }
0x63: {  	v3 =	vnsel vm15, s5, v3  }
0x64: {  	s31 =	simm.s32 $0x140;
	[tilespmem:s29+$0x30] =	vst v3  }
0x65: {  	s28 =	sshll.u32 s26, $0xE;
	s30 =	simm.s32 $0x800F0;
	s0 =	simm.s32 $0x80170;
	v3 =	vld [tilespmem:s31+$0xFFFFFFC0]  }
.LBB2_9:
0x66: {  	p1 =	sne.s32 s0, $0x81FF0;
	_ =	sdelay $0x3  }
0x67: {  	v3 =	vsub.s32 v3, v0  }
0x68: {  	s2 =	sadd.s32 $0xFFFFFF90, s30;
	vm0 =	vlt.u32 v3, $0x80000  }
0x69: {  	s29 =	sadd.s32 $0x80, s29;
	v3 =	vnsel vm0, s2, v3  }
0x6a: {  	[tilespmem:s29+$0xFFFFFFC0] =	vst v3  }
0x6b: {  	v3 =	vld [tilespmem:s31+$0xFFFFFFD0];
	_ =	sdelay $0x4  }
0x6c: {  	v3 =	vsub.s32 v3, v0  }
0x6d: {  	s2 =	sadd.s32 $0xFFFFFFA0, s30;
	vm0 =	vlt.u32 v3, $0x80000  }
0x6e: {  	v3 =	vnsel vm0, s2, v3  }
0x6f: {  	[tilespmem:s29+$0xFFFFFFD0] =	vst v3  }
0x70: {  	v3 =	vld [tilespmem:s31+$0xFFFFFFE0];
	_ =	sdelay $0x4  }
0x71: {  	v3 =	vsub.s32 v3, v0  }
0x72: {  	s2 =	sadd.s32 $0xFFFFFFB0, s30;
	vm0 =	vlt.u32 v3, $0x80000  }
0x73: {  	v3 =	vnsel vm0, s2, v3  }
0x74: {  	[tilespmem:s29+$0xFFFFFFE0] =	vst v3  }
0x75: {  	v3 =	vld [tilespmem:s31+$0xFFFFFFF0];
	_ =	sdelay $0x4  }
0x76: {  	v3 =	vsub.s32 v3, v0  }
0x77: {  	s2 =	sadd.s32 $0xFFFFFFC0, s30;
	vm0 =	vlt.u32 v3, $0x80000  }
0x78: {  	v3 =	vnsel vm0, s2, v3  }
0x79: {  	[tilespmem:s29+$0xFFFFFFF0] =	vst v3  }
0x7a: {  	v3 =	vld [tilespmem:s31+$0x0];
	_ =	sdelay $0x4  }
0x7b: {  	v3 =	vsub.s32 v3, v0  }
0x7c: {  	s2 =	sadd.s32 $0xFFFFFFD0, s30;
	vm0 =	vlt.u32 v3, $0x80000  }
0x7d: {  	v3 =	vnsel vm0, s2, v3  }
0x7e: {  	[tilespmem:s29+$0x0] =	vst v3  }
0x7f: {  	v3 =	vld [tilespmem:s31+$0x10];
	_ =	sdelay $0x4  }
0x80: {  	v3 =	vsub.s32 v3, v0  }
0x81: {  	s2 =	sadd.s32 $0xFFFFFFE0, s30;
	vm0 =	vlt.u32 v3, $0x80000  }
0x82: {  	v3 =	vnsel vm0, s2, v3  }
0x83: {  	[tilespmem:s29+$0x10] =	vst v3  }
0x84: {  	v3 =	vld [tilespmem:s31+$0x20];
	_ =	sdelay $0x4  }
0x85: {  	v3 =	vsub.s32 v3, v0  }
0x86: {  	s2 =	sadd.s32 $0xFFFFFFF0, s30;
	vm0 =	vlt.u32 v3, $0x80000  }
0x87: {  	v3 =	vnsel vm0, s2, v3  }
0x88: {  	[tilespmem:s29+$0x20] =	vst v3  }
0x89: {  	v3 =	vld [tilespmem:s31+$0x30];
	_ =	sdelay $0x4  }
.Ltmp5:
0x8a: {  	v3 =	vsub.s32 v3, v0;
	(pc) =	sbr.rel @p1 .LBB2_9-.Ltmp5, $4  }
0x8b: {  	vm0 =	vlt.u32 v3, $0x80000  }
0x8c: {  	v3 =	vnsel vm0, s30, v3;
	s30 =	smov.u32 s0  }
0x8d: {  	s31 =	sadd.s32 $0x100, s31;
	[tilespmem:s29+$0x30] =	vst v3  }
0x8e: {  	s0 =	sadd.s32 $0x80, s0;
	v3 =	vld [tilespmem:s31+$0xFFFFFFC0]  }
0x8f: {  	_ =	sdelay $0x3  }
0x90: {  	v3 =	vsub.s32 v3, v0  }
0x91: {  	s0 =	sadd.s32 $0xFFFFFF90, s30;
	vm0 =	vlt.u32 v3, $0x80000  }
0x92: {  	v3 =	vnsel vm0, s0, v3;
	s0 =	sadd.s32 $0x80, s29  }
0x93: {  	[tilespmem:s0+$0xFFFFFFC0] =	vst v3  }
0x94: {  	v3 =	vld [tilespmem:s31+$0xFFFFFFD0];
	_ =	sdelay $0x4  }
0x95: {  	v3 =	vsub.s32 v3, v0  }
0x96: {  	s2 =	sadd.s32 $0xFFFFFFA0, s30;
	vm9 =	vlt.u32 v3, $0x80000  }
0x97: {  	v3 =	vnsel vm9, s2, v3  }
0x98: {  	[tilespmem:s0+$0xFFFFFFD0] =	vst v3  }
0x99: {  	v3 =	vld [tilespmem:s31+$0xFFFFFFE0];
	_ =	sdelay $0x4  }
0x9a: {  	v3 =	vsub.s32 v3, v0  }
0x9b: {  	s29 =	sadd.s32 $0xFFFFFFB0, s30;
	vm10 =	vlt.u32 v3, $0x80000  }
0x9c: {  	v3 =	vnsel vm10, s29, v3  }
0x9d: {  	[tilespmem:s0+$0xFFFFFFE0] =	vst v3  }
0x9e: {  	v3 =	vld [tilespmem:s31+$0xFFFFFFF0];
	_ =	sdelay $0x4  }
0x9f: {  	v3 =	vsub.s32 v3, v0  }
0xa0: {  	s5 =	sadd.s32 $0xFFFFFFC0, s30;
	vm11 =	vlt.u32 v3, $0x80000  }
0xa1: {  	v3 =	vnsel vm11, s5, v3  }
0xa2: {  	[tilespmem:s0+$0xFFFFFFF0] =	vst v3  }
0xa3: {  	v3 =	vld [tilespmem:s31+$0x0];
	_ =	sdelay $0x4  }
0xa4: {  	v3 =	vsub.s32 v3, v0  }
0xa5: {  	s29 =	sadd.s32 $0xFFFFFFD0, s30;
	vm12 =	vlt.u32 v3, $0x80000  }
0xa6: {  	v3 =	vnsel vm12, s29, v3  }
0xa7: {  	[tilespmem:s0+$0x0] =	vst v3  }
0xa8: {  	v3 =	vld [tilespmem:s31+$0x10];
	_ =	sdelay $0x4  }
0xa9: {  	v3 =	vsub.s32 v3, v0  }
0xaa: {  	s5 =	sadd.s32 $0xFFFFFFE0, s30;
	vm13 =	vlt.u32 v3, $0x80000  }
0xab: {  	v3 =	vnsel vm13, s5, v3  }
0xac: {  	[tilespmem:s0+$0x10] =	vst v3  }
0xad: {  	v3 =	vld [tilespmem:s31+$0x20];
	_ =	sdelay $0x4  }
0xae: {  	v3 =	vsub.s32 v3, v0  }
0xaf: {  	s29 =	sadd.s32 $0xFFFFFFF0, s30;
	vm14 =	vlt.u32 v3, $0x80000  }
0xb0: {  	v3 =	vnsel vm14, s29, v3  }
0xb1: {  	[tilespmem:s0+$0x20] =	vst v3  }
0xb2: {  	v3 =	vld [tilespmem:s31+$0x30];
	_ =	sdelay $0x3  }
0xb3: {  	p1 =	sne.s32 s26, $0x7  }
.Ltmp6:
0xb4: {  	v3 =	vsub.s32 v3, v0;
	(pc) =	sbr.rel @p1 .LBB2_12-.Ltmp6, $4  }
0xb5: {  	vm15 =	vlt.u32 v3, $0x80000  }
0xb6: {  	v3 =	vnsel vm15, s30, v3  }
0xb7: {  	[tilespmem:s0+$0x30] =	vst v3  }
0xb8: {  	[spmem:s1] =	stream.indirect.scatter [tilespmem:s20], [sflag:$0x3], $0x1, s19, s18, $0xb8;
	[tilespmem:$0x12200] =	vst v63  }
.Ltmp7:
0xb9: {  	(pc) =	sbr.rel .LBB2_15-.Ltmp7, $4  }
0xba: {  	_ = 	snop  }
0xbb: {  	_ =	swait.ge [sflag:s21], $0x2000  }
0xbc: {  	[sflag:s21] =	ssyncset.done $0x0  }
0xbd: {  	[sflag:s21] =	ssyncadd.s32 $0xFFFFE000  }
.LBB2_12:
0xbe: {  	s0 =	sadd.s32 s28, s9  }
0xbf: {  	s0 =	sshrl.u32 s0, $0x3  }
0xc0: {  	s2 =	simm.s32 $0x0;
	s0 =	sadd.s32 s4, s0  }
0xc1: {  	s29 =	simm.s32 $0x10;
	s30 =	simm.s32 $0x100;
	s31 =	sadd.s32 $0x0, s0  }
.LBB2_13:
0xc2: {  	[tilespmem:s2], [sflag:$0x1] =	stream.linear.gather [hbm4b:s31+s3], $0x80, $0x38;
	[tilespmem:$0x12200] =	vst v63  }
0xc3: {  	s31 =	smov.u32 s29;
	s2 =	smov.u32 s30;
	p1 =	sne.s32 s29, $0x3F0  }
.Ltmp8:
0xc4: {  	s29 =	sadd.s32 $0x10, s29;
	(pc) =	sbr.rel @p1 .LBB2_13-.Ltmp8, $2  }
0xc5: {  	_ =	sdelay $0x2  }
0xc6: {  	s30 =	sadd.s32 $0x100, s30;
	s31 =	sadd.s32 s31, s0  }
.Ltmp9:
0xc7: {  	(pc) =	sbr.rel @p0 .LBB2_16-.Ltmp9, $4  }
0xc8: {  	[tilespmem:s2], [sflag:$0x1] =	stream.linear.gather [hbm4b:s31+s3], $0x80, $0x38;
	[tilespmem:$0x12200] =	vst v63  }
0xc9: {  	_ =	swait.ge [sflag:s21], $0x2000  }
0xca: {  	[sflag:s21] =	ssyncset.done $0x0  }
0xcb: {  	[sflag:s21] =	ssyncadd.s32 $0xFFFFE000  }
.LBB2_15:
0xcc: {  	_ =	swait.ge [sflag:s22], $0x2000  }
0xcd: {  	[sflag:s22] =	ssyncset.done $0x0  }
0xce: {  	[sflag:s22] =	ssyncadd.s32 $0xFFFFE000  }
.LBB2_16:
0xcf: {  	s0 =	simm.s32 $0xF0  }
0xd0: {  	v3 =	vld [tilespmem:s0+$0xFFFFFF90];
	_ =	sdelay $0x4  }
0xd1: {  	v3 =	vsub.s32 v3, v0  }
0xd2: {  	s2 =	simm.s32 $0x80000;
	vm0 =	vlt.u32 v3, $0x80000  }
0xd3: {  	s30 =	simm.s32 $0x6040;
	v3 =	vnsel vm0, s2, v3  }
0xd4: {  	[tilespmem:s30+$0xFFFFFFC0] =	vst v3  }
0xd5: {  	v3 =	vld [tilespmem:s0+$0xFFFFFFA0];
	_ =	sdelay $0x4  }
0xd6: {  	v3 =	vsub.s32 v3, v0  }
0xd7: {  	s5 =	simm.s32 $0x80010;
	vm9 =	vlt.u32 v3, $0x80000  }
0xd8: {  	v3 =	vnsel vm9, s5, v3  }
0xd9: {  	[tilespmem:s30+$0xFFFFFFD0] =	vst v3  }
0xda: {  	v3 =	vld [tilespmem:s0+$0xFFFFFFB0];
	_ =	sdelay $0x4  }
0xdb: {  	v3 =	vsub.s32 v3, v0  }
0xdc: {  	s5 =	simm.s32 $0x80020;
	vm10 =	vlt.u32 v3, $0x80000  }
0xdd: {  	v3 =	vnsel vm10, s5, v3  }
0xde: {  	[tilespmem:s30+$0xFFFFFFE0] =	vst v3  }
0xdf: {  	v3 =	vld [tilespmem:s0+$0xFFFFFFC0];
	_ =	sdelay $0x4  }
0xe0: {  	v3 =	vsub.s32 v3, v0  }
0xe1: {  	s5 =	simm.s32 $0x80030;
	vm11 =	vlt.u32 v3, $0x80000  }
0xe2: {  	v3 =	vnsel vm11, s5, v3  }
0xe3: {  	[tilespmem:s30+$0xFFFFFFF0] =	vst v3  }
0xe4: {  	v3 =	vld [tilespmem:s0+$0xFFFFFFD0];
	_ =	sdelay $0x4  }
0xe5: {  	v3 =	vsub.s32 v3, v0  }
0xe6: {  	s5 =	simm.s32 $0x80040;
	vm12 =	vlt.u32 v3, $0x80000  }
0xe7: {  	v3 =	vnsel vm12, s5, v3  }
0xe8: {  	[tilespmem:s30+$0x0] =	vst v3  }
0xe9: {  	v3 =	vld [tilespmem:s0+$0xFFFFFFE0];
	_ =	sdelay $0x4  }
0xea: {  	v3 =	vsub.s32 v3, v0  }
0xeb: {  	s5 =	simm.s32 $0x80050;
	vm13 =	vlt.u32 v3, $0x80000  }
0xec: {  	v3 =	vnsel vm13, s5, v3  }
0xed: {  	[tilespmem:s30+$0x10] =	vst v3  }
0xee: {  	v3 =	vld [tilespmem:s0+$0xFFFFFFF0];
	_ =	sdelay $0x4  }
0xef: {  	v3 =	vsub.s32 v3, v0  }
0xf0: {  	s5 =	simm.s32 $0x80060;
	vm14 =	vlt.u32 v3, $0x80000  }
0xf1: {  	v3 =	vnsel vm14, s5, v3  }
0xf2: {  	[tilespmem:s30+$0x20] =	vst v3  }
0xf3: {  	v3 =	vld [tilespmem:s0+$0x0];
	_ =	sdelay $0x4  }
0xf4: {  	v3 =	vsub.s32 v3, v0  }
0xf5: {  	s5 =	simm.s32 $0x80070;
	vm15 =	vlt.u32 v3, $0x80000  }
0xf6: {  	v3 =	vnsel vm15, s5, v3  }
0xf7: {  	s0 =	simm.s32 $0x1F0;
	[tilespmem:s30+$0x30] =	vst v3  }
0xf8: {  	s29 =	sadd.s32 $0x1, s26;
	s31 =	simm.s32 $0x800F0;
	s2 =	simm.s32 $0x80170;
	v3 =	vld [tilespmem:s0+$0xFFFFFF90]  }
.LBB2_17:
0xf9: {  	p0 =	sne.s32 s2, $0x81FF0;
	_ =	sdelay $0x3  }
0xfa: {  	v3 =	vsub.s32 v3, v0  }
0xfb: {  	s5 =	sadd.s32 $0xFFFFFF90, s31;
	vm0 =	vlt.u32 v3, $0x80000  }
0xfc: {  	s30 =	sadd.s32 $0x80, s30;
	v3 =	vnsel vm0, s5, v3  }
0xfd: {  	[tilespmem:s30+$0xFFFFFFC0] =	vst v3  }
0xfe: {  	v3 =	vld [tilespmem:s0+$0xFFFFFFA0];
	_ =	sdelay $0x4  }
0xff: {  	v3 =	vsub.s32 v3, v0  }
0x100: {  	s5 =	sadd.s32 $0xFFFFFFA0, s31;
	vm0 =	vlt.u32 v3, $0x80000  }
0x101: {  	v3 =	vnsel vm0, s5, v3  }
0x102: {  	[tilespmem:s30+$0xFFFFFFD0] =	vst v3  }
0x103: {  	v3 =	vld [tilespmem:s0+$0xFFFFFFB0];
	_ =	sdelay $0x4  }
0x104: {  	v3 =	vsub.s32 v3, v0  }
0x105: {  	s5 =	sadd.s32 $0xFFFFFFB0, s31;
	vm0 =	vlt.u32 v3, $0x80000  }
0x106: {  	v3 =	vnsel vm0, s5, v3  }
0x107: {  	[tilespmem:s30+$0xFFFFFFE0] =	vst v3  }
0x108: {  	v3 =	vld [tilespmem:s0+$0xFFFFFFC0];
	_ =	sdelay $0x4  }
0x109: {  	v3 =	vsub.s32 v3, v0  }
0x10a: {  	s5 =	sadd.s32 $0xFFFFFFC0, s31;
	vm0 =	vlt.u32 v3, $0x80000  }
0x10b: {  	v3 =	vnsel vm0, s5, v3  }
0x10c: {  	[tilespmem:s30+$0xFFFFFFF0] =	vst v3  }
0x10d: {  	v3 =	vld [tilespmem:s0+$0xFFFFFFD0];
	_ =	sdelay $0x4  }
0x10e: {  	v3 =	vsub.s32 v3, v0  }
0x10f: {  	s5 =	sadd.s32 $0xFFFFFFD0, s31;
	vm0 =	vlt.u32 v3, $0x80000  }
0x110: {  	v3 =	vnsel vm0, s5, v3  }
0x111: {  	[tilespmem:s30+$0x0] =	vst v3  }
0x112: {  	v3 =	vld [tilespmem:s0+$0xFFFFFFE0];
	_ =	sdelay $0x4  }
0x113: {  	v3 =	vsub.s32 v3, v0  }
0x114: {  	s5 =	sadd.s32 $0xFFFFFFE0, s31;
	vm0 =	vlt.u32 v3, $0x80000  }
0x115: {  	v3 =	vnsel vm0, s5, v3  }
0x116: {  	[tilespmem:s30+$0x10] =	vst v3  }
0x117: {  	v3 =	vld [tilespmem:s0+$0xFFFFFFF0];
	_ =	sdelay $0x4  }
0x118: {  	v3 =	vsub.s32 v3, v0  }
0x119: {  	s5 =	sadd.s32 $0xFFFFFFF0, s31;
	vm0 =	vlt.u32 v3, $0x80000  }
0x11a: {  	v3 =	vnsel vm0, s5, v3  }
0x11b: {  	[tilespmem:s30+$0x20] =	vst v3  }
0x11c: {  	v3 =	vld [tilespmem:s0+$0x0];
	_ =	sdelay $0x4  }
.Ltmp10:
0x11d: {  	v3 =	vsub.s32 v3, v0;
	(pc) =	sbr.rel @p0 .LBB2_17-.Ltmp10, $4  }
0x11e: {  	vm0 =	vlt.u32 v3, $0x80000  }
0x11f: {  	v3 =	vnsel vm0, s31, v3;
	s31 =	smov.u32 s2  }
0x120: {  	s0 =	sadd.s32 $0x100, s0;
	[tilespmem:s30+$0x30] =	vst v3  }
0x121: {  	s2 =	sadd.s32 $0x80, s2;
	v3 =	vld [tilespmem:s0+$0xFFFFFF90]  }
0x122: {  	_ =	sdelay $0x3  }
0x123: {  	v3 =	vsub.s32 v3, v0  }
0x124: {  	s2 =	sadd.s32 $0xFFFFFF90, s31;
	vm0 =	vlt.u32 v3, $0x80000  }
0x125: {  	v3 =	vnsel vm0, s2, v3;
	s2 =	sadd.s32 $0x80, s30  }
0x126: {  	[tilespmem:s2+$0xFFFFFFC0] =	vst v3  }
0x127: {  	v3 =	vld [tilespmem:s0+$0xFFFFFFA0];
	_ =	sdelay $0x4  }
0x128: {  	v3 =	vsub.s32 v3, v0  }
0x129: {  	s5 =	sadd.s32 $0xFFFFFFA0, s31;
	vm9 =	vlt.u32 v3, $0x80000  }
0x12a: {  	v3 =	vnsel vm9, s5, v3  }
0x12b: {  	[tilespmem:s2+$0xFFFFFFD0] =	vst v3  }
0x12c: {  	v3 =	vld [tilespmem:s0+$0xFFFFFFB0];
	_ =	sdelay $0x4  }
0x12d: {  	v3 =	vsub.s32 v3, v0  }
0x12e: {  	s30 =	sadd.s32 $0xFFFFFFB0, s31;
	vm10 =	vlt.u32 v3, $0x80000  }
0x12f: {  	v3 =	vnsel vm10, s30, v3  }
0x130: {  	[tilespmem:s2+$0xFFFFFFE0] =	vst v3  }
0x131: {  	v3 =	vld [tilespmem:s0+$0xFFFFFFC0];
	_ =	sdelay $0x4  }
0x132: {  	v3 =	vsub.s32 v3, v0  }
0x133: {  	s30 =	sadd.s32 $0xFFFFFFC0, s31;
	vm11 =	vlt.u32 v3, $0x80000  }
0x134: {  	v3 =	vnsel vm11, s30, v3  }
0x135: {  	[tilespmem:s2+$0xFFFFFFF0] =	vst v3  }
0x136: {  	v3 =	vld [tilespmem:s0+$0xFFFFFFD0];
	_ =	sdelay $0x4  }
0x137: {  	v3 =	vsub.s32 v3, v0  }
0x138: {  	s30 =	sadd.s32 $0xFFFFFFD0, s31;
	vm12 =	vlt.u32 v3, $0x80000  }
0x139: {  	v3 =	vnsel vm12, s30, v3  }
0x13a: {  	[tilespmem:s2+$0x0] =	vst v3  }
0x13b: {  	v3 =	vld [tilespmem:s0+$0xFFFFFFE0];
	_ =	sdelay $0x4  }
0x13c: {  	v3 =	vsub.s32 v3, v0  }
0x13d: {  	s30 =	sadd.s32 $0xFFFFFFE0, s31;
	vm13 =	vlt.u32 v3, $0x80000  }
0x13e: {  	v3 =	vnsel vm13, s30, v3  }
0x13f: {  	[tilespmem:s2+$0x10] =	vst v3  }
0x140: {  	v3 =	vld [tilespmem:s0+$0xFFFFFFF0];
	_ =	sdelay $0x4  }
0x141: {  	v3 =	vsub.s32 v3, v0  }
0x142: {  	s30 =	sadd.s32 $0xFFFFFFF0, s31;
	vm14 =	vlt.u32 v3, $0x80000  }
0x143: {  	v3 =	vnsel vm14, s30, v3  }
0x144: {  	[tilespmem:s2+$0x20] =	vst v3  }
0x145: {  	v3 =	vld [tilespmem:s0+$0x0];
	_ =	sdelay $0x3  }
0x146: {  	p0 =	seq.s32 s26, $0x7  }
.Ltmp11:
0x147: {  	v3 =	vsub.s32 v3, v0;
	(pc) =	sbr.rel @p0 .LBB2_22-.Ltmp11, $4  }
0x148: {  	vm15 =	vlt.u32 v3, $0x80000  }
0x149: {  	v3 =	vnsel vm15, s31, v3  }
0x14a: {  	[tilespmem:s2+$0x30] =	vst v3  }
0x14b: {  	[spmem:s1] =	stream.indirect.scatter [tilespmem:s20], [sflag:$0x4], $0x1, s23, s18, $0xb8;
	[tilespmem:$0x12200] =	vst v63  }
0x14c: {  	s0 =	sadd.s32 s28, s10  }
0x14d: {  	s0 =	sshrl.u32 s0, $0x3  }
0x14e: {  	s2 =	simm.s32 $0x80;
	s0 =	sadd.s32 s4, s0  }
0x14f: {  	s26 =	simm.s32 $0x10;
	s28 =	simm.s32 $0x180;
	s30 =	sadd.s32 $0x0, s0  }
.LBB2_20:
0x150: {  	[tilespmem:s2], [sflag:$0x2] =	stream.linear.gather [hbm4b:s30+s3], $0x80, $0x38;
	[tilespmem:$0x12200] =	vst v63  }
0x151: {  	s5 =	smov.u32 s26;
	s2 =	smov.u32 s28;
	p0 =	sne.s32 s26, $0x3F0  }
.Ltmp12:
0x152: {  	s26 =	sadd.s32 $0x10, s26;
	(pc) =	sbr.rel @p0 .LBB2_20-.Ltmp12, $2  }
0x153: {  	_ =	sdelay $0x2  }
0x154: {  	s28 =	sadd.s32 $0x100, s28;
	s30 =	sadd.s32 s5, s0  }
0x155: {  	p0 =	sne.s32 s29, $0x8  }
.Ltmp13:
0x156: {  	_ = 	snop;
	(pc) =	sbr.rel @p0 .LBB2_8-.Ltmp13, $3  }
0x157: {  	_ =	sdelay $0x1  }
0x158: {  	[tilespmem:s2], [sflag:$0x2] =	stream.linear.gather [hbm4b:s30+s3], $0x80, $0x38;
	[tilespmem:$0x12200] =	vst v63  }
0x159: {  	s26 =	smov.u32 s29  }
.LBB2_22:
0x15a: {  	_ =	swait.ge [sflag:s24], $0x2000  }
0x15b: {  	[sflag:s24] =	ssyncset.done $0x0  }
0x15c: {  	[sflag:s24] =	ssyncadd.s32 $0xFFFFE000  }
0x15d: {  	_ =	swait.ge [sflag:s22], $0x2000  }
0x15e: {  	[sflag:s22] =	ssyncset.done $0x0  }
0x15f: {  	[sflag:s22] =	ssyncadd.s32 $0xFFFFE000  }
0x160: {  	[bflag:$0x0] =	sbarrier.arrive $0xFFFF  }
0x161: {  	[hbm:s11], [sflag:s6] =	dma.local [spmem:s15], $0x1000  }
0x162: {  	_ =	swait.ge [sflag:s16], $0x1000  }
0x163: {  	[sflag:s16] =	ssyncset.done $0x0  }
0x164: {  	[sflag:s16] =	ssyncadd.s32 $0xFFFFF000  }
0x165: {  	[bflag:$0x0] =	sbarrier.arrive $0xFFFF  }
0x166: {  	[spmem:s15], [sflag:s6] =	dma.local [hbm:s12], $0x1000  }
0x167: {  	_ =	swait.ge [sflag:s16], $0x1000  }
0x168: {  	[sflag:s16] =	ssyncset.done $0x0  }
0x169: {  	s0 =	simm.s32 $0x0;
	[sflag:s16] =	ssyncadd.s32 $0xFFFFF000  }
0x16a: {  	s2 =	simm.s32 $0x0;
	s26 =	simm.s32 $0x0;
	[bflag:$0x0] =	sbarrier.arrive $0xFFFF  }
.LBB2_23:
0x16b: {  	p0 =	sne.s32 s26, $0x3F0  }
.Ltmp14:
0x16c: {  	_ = 	snop;
	(pc) =	sbr.rel @p0 .LBB2_23-.Ltmp14, $4  }
0x16d: {  	_ = 	snop  }
0x16e: {  	s5 =	sadd.s32 s26, s7  }
0x16f: {  	[tilespmem:s2], [sflag:$0x1] =	stream.linear.gather [hbm4b:s5+s0], $0x80, $0x38;
	[tilespmem:$0x12200] =	vst v63  }
0x170: {  	s26 =	sadd.s32 $0x10, s26;
	s2 =	sadd.s32 $0x100, s2  }
0x171: {  	s0 =	simm.s32 $0x80;
	s2 =	sadd.s32 $0x0, s8;
	s26 =	simm.s32 $0x0  }
0x172: {  	[tilespmem:s0], [sflag:$0x2] =	stream.linear.gather [hbm4b:s2+s26], $0x80, $0x38;
	[tilespmem:$0x12200] =	vst v63  }
0x173: {  	s2 =	simm.s32 $0x10  }
.LBB2_25:
0x174: {  	p0 =	sne.s32 s2, $0x3F0  }
.Ltmp15:
0x175: {  	_ = 	snop;
	(pc) =	sbr.rel @p0 .LBB2_25-.Ltmp15, $4  }
0x176: {  	_ = 	snop  }
0x177: {  	s5 =	sadd.s32 s2, s8;
	s0 =	sadd.s32 $0x100, s0  }
0x178: {  	s2 =	sadd.s32 $0x10, s2  }
0x179: {  	[tilespmem:s0], [sflag:$0x2] =	stream.linear.gather [hbm4b:s5+s26], $0x80, $0x38;
	[tilespmem:$0x12200] =	vst v63  }
.LBB2_26:
0x17a: {  	_ =	swait.ge [sflag:s17], $0x2000  }
0x17b: {  	p0 =	seq.s32 s26, $0x0;
	[sflag:s17] =	ssyncset.done $0x0  }
0x17c: {  	s0 =	simm.s32 @!p0 $0x3;
	[sflag:s17] =	ssyncadd.s32 $0xFFFFE000  }
0x17d: {  	_ =	swait.ge @!p0 [sflag:s0], $0x2000  }
0x17e: {  	[sflag:s0] =	ssyncset.done @!p0 $0x0  }
0x17f: {  	[sflag:s0] =	ssyncadd.s32 @!p0 $0xFFFFE000;
	s0 =	simm.s32 $0x40  }
0x180: {  	v3 =	vld [tilespmem:s0+$0xFFFFFFC0];
	_ =	sdelay $0x4  }
0x181: {  	v3 =	vsub.s32 v3, v1  }
0x182: {  	s2 =	simm.s32 $0x80000;
	vm0 =	vlt.u32 v3, $0x80000  }
0x183: {  	s29 =	simm.s32 $0x4040;
	v3 =	vnsel vm0, s2, v3  }
0x184: {  	[tilespmem:s29+$0xFFFFFFC0] =	vst v3  }
0x185: {  	v3 =	vld [tilespmem:s0+$0xFFFFFFD0];
	_ =	sdelay $0x4  }
0x186: {  	v3 =	vsub.s32 v3, v1  }
0x187: {  	s31 =	simm.s32 $0x80010;
	vm9 =	vlt.u32 v3, $0x80000  }
0x188: {  	v3 =	vnsel vm9, s31, v3  }
0x189: {  	[tilespmem:s29+$0xFFFFFFD0] =	vst v3  }
0x18a: {  	v3 =	vld [tilespmem:s0+$0xFFFFFFE0];
	_ =	sdelay $0x4  }
0x18b: {  	v3 =	vsub.s32 v3, v1  }
0x18c: {  	s5 =	simm.s32 $0x80020;
	vm10 =	vlt.u32 v3, $0x80000  }
0x18d: {  	v3 =	vnsel vm10, s5, v3  }
0x18e: {  	[tilespmem:s29+$0xFFFFFFE0] =	vst v3  }
0x18f: {  	v3 =	vld [tilespmem:s0+$0xFFFFFFF0];
	_ =	sdelay $0x4  }
0x190: {  	v3 =	vsub.s32 v3, v1  }
0x191: {  	s31 =	simm.s32 $0x80030;
	vm11 =	vlt.u32 v3, $0x80000  }
0x192: {  	v3 =	vnsel vm11, s31, v3  }
0x193: {  	[tilespmem:s29+$0xFFFFFFF0] =	vst v3  }
0x194: {  	v3 =	vld [tilespmem:s0+$0x0];
	_ =	sdelay $0x4  }
0x195: {  	v3 =	vsub.s32 v3, v1  }
0x196: {  	s5 =	simm.s32 $0x80040;
	vm12 =	vlt.u32 v3, $0x80000  }
0x197: {  	v3 =	vnsel vm12, s5, v3  }
0x198: {  	[tilespmem:s29+$0x0] =	vst v3  }
0x199: {  	v3 =	vld [tilespmem:s0+$0x10];
	_ =	sdelay $0x4  }
0x19a: {  	v3 =	vsub.s32 v3, v1  }
0x19b: {  	s31 =	simm.s32 $0x80050;
	vm13 =	vlt.u32 v3, $0x80000  }
0x19c: {  	v3 =	vnsel vm13, s31, v3  }
0x19d: {  	[tilespmem:s29+$0x10] =	vst v3  }
0x19e: {  	v3 =	vld [tilespmem:s0+$0x20];
	_ =	sdelay $0x4  }
0x19f: {  	v3 =	vsub.s32 v3, v1  }
0x1a0: {  	s5 =	simm.s32 $0x80060;
	vm14 =	vlt.u32 v3, $0x80000  }
0x1a1: {  	v3 =	vnsel vm14, s5, v3  }
0x1a2: {  	[tilespmem:s29+$0x20] =	vst v3  }
0x1a3: {  	v3 =	vld [tilespmem:s0+$0x30];
	_ =	sdelay $0x4  }
0x1a4: {  	v3 =	vsub.s32 v3, v1  }
0x1a5: {  	s31 =	simm.s32 $0x80070;
	vm15 =	vlt.u32 v3, $0x80000  }
0x1a6: {  	v3 =	vnsel vm15, s31, v3  }
0x1a7: {  	s0 =	simm.s32 $0x140;
	[tilespmem:s29+$0x30] =	vst v3  }
0x1a8: {  	s28 =	sshll.u32 s26, $0xE;
	s30 =	simm.s32 $0x800F0;
	s2 =	simm.s32 $0x80170;
	v3 =	vld [tilespmem:s0+$0xFFFFFFC0]  }
.LBB2_27:
0x1a9: {  	p1 =	sne.s32 s2, $0x81FF0;
	_ =	sdelay $0x3  }
0x1aa: {  	v3 =	vsub.s32 v3, v1  }
0x1ab: {  	s5 =	sadd.s32 $0xFFFFFF90, s30;
	vm0 =	vlt.u32 v3, $0x80000  }
0x1ac: {  	s29 =	sadd.s32 $0x80, s29;
	v3 =	vnsel vm0, s5, v3  }
0x1ad: {  	[tilespmem:s29+$0xFFFFFFC0] =	vst v3  }
0x1ae: {  	v3 =	vld [tilespmem:s0+$0xFFFFFFD0];
	_ =	sdelay $0x4  }
0x1af: {  	v3 =	vsub.s32 v3, v1  }
0x1b0: {  	s5 =	sadd.s32 $0xFFFFFFA0, s30;
	vm0 =	vlt.u32 v3, $0x80000  }
0x1b1: {  	v3 =	vnsel vm0, s5, v3  }
0x1b2: {  	[tilespmem:s29+$0xFFFFFFD0] =	vst v3  }
0x1b3: {  	v3 =	vld [tilespmem:s0+$0xFFFFFFE0];
	_ =	sdelay $0x4  }
0x1b4: {  	v3 =	vsub.s32 v3, v1  }
0x1b5: {  	s5 =	sadd.s32 $0xFFFFFFB0, s30;
	vm0 =	vlt.u32 v3, $0x80000  }
0x1b6: {  	v3 =	vnsel vm0, s5, v3  }
0x1b7: {  	[tilespmem:s29+$0xFFFFFFE0] =	vst v3  }
0x1b8: {  	v3 =	vld [tilespmem:s0+$0xFFFFFFF0];
	_ =	sdelay $0x4  }
0x1b9: {  	v3 =	vsub.s32 v3, v1  }
0x1ba: {  	s5 =	sadd.s32 $0xFFFFFFC0, s30;
	vm0 =	vlt.u32 v3, $0x80000  }
0x1bb: {  	v3 =	vnsel vm0, s5, v3  }
0x1bc: {  	[tilespmem:s29+$0xFFFFFFF0] =	vst v3  }
0x1bd: {  	v3 =	vld [tilespmem:s0+$0x0];
	_ =	sdelay $0x4  }
0x1be: {  	v3 =	vsub.s32 v3, v1  }
0x1bf: {  	s5 =	sadd.s32 $0xFFFFFFD0, s30;
	vm0 =	vlt.u32 v3, $0x80000  }
0x1c0: {  	v3 =	vnsel vm0, s5, v3  }
0x1c1: {  	[tilespmem:s29+$0x0] =	vst v3  }
0x1c2: {  	v3 =	vld [tilespmem:s0+$0x10];
	_ =	sdelay $0x4  }
0x1c3: {  	v3 =	vsub.s32 v3, v1  }
0x1c4: {  	s5 =	sadd.s32 $0xFFFFFFE0, s30;
	vm0 =	vlt.u32 v3, $0x80000  }
0x1c5: {  	v3 =	vnsel vm0, s5, v3  }
0x1c6: {  	[tilespmem:s29+$0x10] =	vst v3  }
0x1c7: {  	v3 =	vld [tilespmem:s0+$0x20];
	_ =	sdelay $0x4  }
0x1c8: {  	v3 =	vsub.s32 v3, v1  }
0x1c9: {  	s5 =	sadd.s32 $0xFFFFFFF0, s30;
	vm0 =	vlt.u32 v3, $0x80000  }
0x1ca: {  	v3 =	vnsel vm0, s5, v3  }
0x1cb: {  	[tilespmem:s29+$0x20] =	vst v3  }
0x1cc: {  	v3 =	vld [tilespmem:s0+$0x30];
	_ =	sdelay $0x4  }
.Ltmp16:
0x1cd: {  	v3 =	vsub.s32 v3, v1;
	(pc) =	sbr.rel @p1 .LBB2_27-.Ltmp16, $4  }
0x1ce: {  	vm0 =	vlt.u32 v3, $0x80000  }
0x1cf: {  	v3 =	vnsel vm0, s30, v3;
	s30 =	smov.u32 s2  }
0x1d0: {  	s0 =	sadd.s32 $0x100, s0;
	[tilespmem:s29+$0x30] =	vst v3  }
0x1d1: {  	s2 =	sadd.s32 $0x80, s2;
	v3 =	vld [tilespmem:s0+$0xFFFFFFC0]  }
0x1d2: {  	_ =	sdelay $0x3  }
0x1d3: {  	v3 =	vsub.s32 v3, v1  }
0x1d4: {  	s2 =	sadd.s32 $0xFFFFFF90, s30;
	vm0 =	vlt.u32 v3, $0x80000  }
0x1d5: {  	v3 =	vnsel vm0, s2, v3;
	s2 =	sadd.s32 $0x80, s29  }
0x1d6: {  	[tilespmem:s2+$0xFFFFFFC0] =	vst v3  }
0x1d7: {  	v3 =	vld [tilespmem:s0+$0xFFFFFFD0];
	_ =	sdelay $0x4  }
0x1d8: {  	v3 =	vsub.s32 v3, v1  }
0x1d9: {  	s5 =	sadd.s32 $0xFFFFFFA0, s30;
	vm9 =	vlt.u32 v3, $0x80000  }
0x1da: {  	v3 =	vnsel vm9, s5, v3  }
0x1db: {  	[tilespmem:s2+$0xFFFFFFD0] =	vst v3  }
0x1dc: {  	v3 =	vld [tilespmem:s0+$0xFFFFFFE0];
	_ =	sdelay $0x4  }
0x1dd: {  	v3 =	vsub.s32 v3, v1  }
0x1de: {  	s31 =	sadd.s32 $0xFFFFFFB0, s30;
	vm10 =	vlt.u32 v3, $0x80000  }
0x1df: {  	v3 =	vnsel vm10, s31, v3  }
0x1e0: {  	[tilespmem:s2+$0xFFFFFFE0] =	vst v3  }
0x1e1: {  	v3 =	vld [tilespmem:s0+$0xFFFFFFF0];
	_ =	sdelay $0x4  }
0x1e2: {  	v3 =	vsub.s32 v3, v1  }
0x1e3: {  	s29 =	sadd.s32 $0xFFFFFFC0, s30;
	vm11 =	vlt.u32 v3, $0x80000  }
0x1e4: {  	v3 =	vnsel vm11, s29, v3  }
0x1e5: {  	[tilespmem:s2+$0xFFFFFFF0] =	vst v3  }
0x1e6: {  	v3 =	vld [tilespmem:s0+$0x0];
	_ =	sdelay $0x4  }
0x1e7: {  	v3 =	vsub.s32 v3, v1  }
0x1e8: {  	s31 =	sadd.s32 $0xFFFFFFD0, s30;
	vm12 =	vlt.u32 v3, $0x80000  }
0x1e9: {  	v3 =	vnsel vm12, s31, v3  }
0x1ea: {  	[tilespmem:s2+$0x0] =	vst v3  }
0x1eb: {  	v3 =	vld [tilespmem:s0+$0x10];
	_ =	sdelay $0x4  }
0x1ec: {  	v3 =	vsub.s32 v3, v1  }
0x1ed: {  	s29 =	sadd.s32 $0xFFFFFFE0, s30;
	vm13 =	vlt.u32 v3, $0x80000  }
0x1ee: {  	v3 =	vnsel vm13, s29, v3  }
0x1ef: {  	[tilespmem:s2+$0x10] =	vst v3  }
0x1f0: {  	v3 =	vld [tilespmem:s0+$0x20];
	_ =	sdelay $0x4  }
0x1f1: {  	v3 =	vsub.s32 v3, v1  }
0x1f2: {  	s31 =	sadd.s32 $0xFFFFFFF0, s30;
	vm14 =	vlt.u32 v3, $0x80000  }
0x1f3: {  	v3 =	vnsel vm14, s31, v3  }
0x1f4: {  	[tilespmem:s2+$0x20] =	vst v3  }
0x1f5: {  	v3 =	vld [tilespmem:s0+$0x30];
	_ =	sdelay $0x3  }
0x1f6: {  	p1 =	sne.s32 s26, $0x7  }
.Ltmp17:
0x1f7: {  	v3 =	vsub.s32 v3, v1;
	(pc) =	sbr.rel @p1 .LBB2_30-.Ltmp17, $4  }
0x1f8: {  	vm15 =	vlt.u32 v3, $0x80000  }
0x1f9: {  	v3 =	vnsel vm15, s30, v3  }
0x1fa: {  	[tilespmem:s2+$0x30] =	vst v3  }
0x1fb: {  	[spmem:s1] =	stream.indirect.scatter [tilespmem:s20], [sflag:$0x3], $0x1, s19, s18, $0xb8;
	[tilespmem:$0x12200] =	vst v63  }
.Ltmp18:
0x1fc: {  	(pc) =	sbr.rel .LBB2_33-.Ltmp18, $4  }
0x1fd: {  	_ = 	snop  }
0x1fe: {  	_ =	swait.ge [sflag:s21], $0x2000  }
0x1ff: {  	[sflag:s21] =	ssyncset.done $0x0  }
0x200: {  	[sflag:s21] =	ssyncadd.s32 $0xFFFFE000  }
.LBB2_30:
0x201: {  	s0 =	sadd.s32 s28, s9  }
0x202: {  	s0 =	sshrl.u32 s0, $0x3  }
0x203: {  	s2 =	simm.s32 $0x0;
	s0 =	sadd.s32 s4, s0  }
0x204: {  	s29 =	simm.s32 $0x10;
	s30 =	simm.s32 $0x100;
	s31 =	sadd.s32 $0x0, s0  }
.LBB2_31:
0x205: {  	[tilespmem:s2], [sflag:$0x1] =	stream.linear.gather [hbm4b:s31+s3], $0x80, $0x38;
	[tilespmem:$0x12200] =	vst v63  }
0x206: {  	s5 =	smov.u32 s29;
	s2 =	smov.u32 s30;
	p1 =	sne.s32 s29, $0x3F0  }
.Ltmp19:
0x207: {  	s29 =	sadd.s32 $0x10, s29;
	(pc) =	sbr.rel @p1 .LBB2_31-.Ltmp19, $2  }
0x208: {  	_ =	sdelay $0x2  }
0x209: {  	s30 =	sadd.s32 $0x100, s30;
	s31 =	sadd.s32 s5, s0  }
.Ltmp20:
0x20a: {  	(pc) =	sbr.rel @p0 .LBB2_34-.Ltmp20, $4  }
0x20b: {  	[tilespmem:s2], [sflag:$0x1] =	stream.linear.gather [hbm4b:s31+s3], $0x80, $0x38;
	[tilespmem:$0x12200] =	vst v63  }
0x20c: {  	_ =	swait.ge [sflag:s21], $0x2000  }
0x20d: {  	[sflag:s21] =	ssyncset.done $0x0  }
0x20e: {  	[sflag:s21] =	ssyncadd.s32 $0xFFFFE000  }
.LBB2_33:
0x20f: {  	_ =	swait.ge [sflag:s22], $0x2000  }
0x210: {  	[sflag:s22] =	ssyncset.done $0x0  }
0x211: {  	[sflag:s22] =	ssyncadd.s32 $0xFFFFE000  }
.LBB2_34:
0x212: {  	s0 =	simm.s32 $0xF0  }
0x213: {  	v3 =	vld [tilespmem:s0+$0xFFFFFF90];
	_ =	sdelay $0x4  }
0x214: {  	v3 =	vsub.s32 v3, v1  }
0x215: {  	s2 =	simm.s32 $0x80000;
	vm0 =	vlt.u32 v3, $0x80000  }
0x216: {  	s30 =	simm.s32 $0x6040;
	v3 =	vnsel vm0, s2, v3  }
0x217: {  	[tilespmem:s30+$0xFFFFFFC0] =	vst v3  }
0x218: {  	v3 =	vld [tilespmem:s0+$0xFFFFFFA0];
	_ =	sdelay $0x4  }
0x219: {  	v3 =	vsub.s32 v3, v1  }
0x21a: {  	s5 =	simm.s32 $0x80010;
	vm9 =	vlt.u32 v3, $0x80000  }
0x21b: {  	v3 =	vnsel vm9, s5, v3  }
0x21c: {  	[tilespmem:s30+$0xFFFFFFD0] =	vst v3  }
0x21d: {  	v3 =	vld [tilespmem:s0+$0xFFFFFFB0];
	_ =	sdelay $0x4  }
0x21e: {  	v3 =	vsub.s32 v3, v1  }
0x21f: {  	s5 =	simm.s32 $0x80020;
	vm10 =	vlt.u32 v3, $0x80000  }
0x220: {  	v3 =	vnsel vm10, s5, v3  }
0x221: {  	[tilespmem:s30+$0xFFFFFFE0] =	vst v3  }
0x222: {  	v3 =	vld [tilespmem:s0+$0xFFFFFFC0];
	_ =	sdelay $0x4  }
0x223: {  	v3 =	vsub.s32 v3, v1  }
0x224: {  	s5 =	simm.s32 $0x80030;
	vm11 =	vlt.u32 v3, $0x80000  }
0x225: {  	v3 =	vnsel vm11, s5, v3  }
0x226: {  	[tilespmem:s30+$0xFFFFFFF0] =	vst v3  }
0x227: {  	v3 =	vld [tilespmem:s0+$0xFFFFFFD0];
	_ =	sdelay $0x4  }
0x228: {  	v3 =	vsub.s32 v3, v1  }
0x229: {  	s5 =	simm.s32 $0x80040;
	vm12 =	vlt.u32 v3, $0x80000  }
0x22a: {  	v3 =	vnsel vm12, s5, v3  }
0x22b: {  	[tilespmem:s30+$0x0] =	vst v3  }
0x22c: {  	v3 =	vld [tilespmem:s0+$0xFFFFFFE0];
	_ =	sdelay $0x4  }
0x22d: {  	v3 =	vsub.s32 v3, v1  }
0x22e: {  	s5 =	simm.s32 $0x80050;
	vm13 =	vlt.u32 v3, $0x80000  }
0x22f: {  	v3 =	vnsel vm13, s5, v3  }
0x230: {  	[tilespmem:s30+$0x10] =	vst v3  }
0x231: {  	v3 =	vld [tilespmem:s0+$0xFFFFFFF0];
	_ =	sdelay $0x4  }
0x232: {  	v3 =	vsub.s32 v3, v1  }
0x233: {  	s5 =	simm.s32 $0x80060;
	vm14 =	vlt.u32 v3, $0x80000  }
0x234: {  	v3 =	vnsel vm14, s5, v3  }
0x235: {  	[tilespmem:s30+$0x20] =	vst v3  }
0x236: {  	v3 =	vld [tilespmem:s0+$0x0];
	_ =	sdelay $0x4  }
0x237: {  	v3 =	vsub.s32 v3, v1  }
0x238: {  	s5 =	simm.s32 $0x80070;
	vm15 =	vlt.u32 v3, $0x80000  }
0x239: {  	v3 =	vnsel vm15, s5, v3  }
0x23a: {  	s0 =	simm.s32 $0x1F0;
	[tilespmem:s30+$0x30] =	vst v3  }
0x23b: {  	s29 =	sadd.s32 $0x1, s26;
	s31 =	simm.s32 $0x800F0;
	s2 =	simm.s32 $0x80170;
	v3 =	vld [tilespmem:s0+$0xFFFFFF90]  }
.LBB2_35:
0x23c: {  	p0 =	sne.s32 s2, $0x81FF0;
	_ =	sdelay $0x3  }
0x23d: {  	v3 =	vsub.s32 v3, v1  }
0x23e: {  	s5 =	sadd.s32 $0xFFFFFF90, s31;
	vm0 =	vlt.u32 v3, $0x80000  }
0x23f: {  	s30 =	sadd.s32 $0x80, s30;
	v3 =	vnsel vm0, s5, v3  }
0x240: {  	[tilespmem:s30+$0xFFFFFFC0] =	vst v3  }
0x241: {  	v3 =	vld [tilespmem:s0+$0xFFFFFFA0];
	_ =	sdelay $0x4  }
0x242: {  	v3 =	vsub.s32 v3, v1  }
0x243: {  	s5 =	sadd.s32 $0xFFFFFFA0, s31;
	vm0 =	vlt.u32 v3, $0x80000  }
0x244: {  	v3 =	vnsel vm0, s5, v3  }
0x245: {  	[tilespmem:s30+$0xFFFFFFD0] =	vst v3  }
0x246: {  	v3 =	vld [tilespmem:s0+$0xFFFFFFB0];
	_ =	sdelay $0x4  }
0x247: {  	v3 =	vsub.s32 v3, v1  }
0x248: {  	s5 =	sadd.s32 $0xFFFFFFB0, s31;
	vm0 =	vlt.u32 v3, $0x80000  }
0x249: {  	v3 =	vnsel vm0, s5, v3  }
0x24a: {  	[tilespmem:s30+$0xFFFFFFE0] =	vst v3  }
0x24b: {  	v3 =	vld [tilespmem:s0+$0xFFFFFFC0];
	_ =	sdelay $0x4  }
0x24c: {  	v3 =	vsub.s32 v3, v1  }
0x24d: {  	s5 =	sadd.s32 $0xFFFFFFC0, s31;
	vm0 =	vlt.u32 v3, $0x80000  }
0x24e: {  	v3 =	vnsel vm0, s5, v3  }
0x24f: {  	[tilespmem:s30+$0xFFFFFFF0] =	vst v3  }
0x250: {  	v3 =	vld [tilespmem:s0+$0xFFFFFFD0];
	_ =	sdelay $0x4  }
0x251: {  	v3 =	vsub.s32 v3, v1  }
0x252: {  	s5 =	sadd.s32 $0xFFFFFFD0, s31;
	vm0 =	vlt.u32 v3, $0x80000  }
0x253: {  	v3 =	vnsel vm0, s5, v3  }
0x254: {  	[tilespmem:s30+$0x0] =	vst v3  }
0x255: {  	v3 =	vld [tilespmem:s0+$0xFFFFFFE0];
	_ =	sdelay $0x4  }
0x256: {  	v3 =	vsub.s32 v3, v1  }
0x257: {  	s5 =	sadd.s32 $0xFFFFFFE0, s31;
	vm0 =	vlt.u32 v3, $0x80000  }
0x258: {  	v3 =	vnsel vm0, s5, v3  }
0x259: {  	[tilespmem:s30+$0x10] =	vst v3  }
0x25a: {  	v3 =	vld [tilespmem:s0+$0xFFFFFFF0];
	_ =	sdelay $0x4  }
0x25b: {  	v3 =	vsub.s32 v3, v1  }
0x25c: {  	s5 =	sadd.s32 $0xFFFFFFF0, s31;
	vm0 =	vlt.u32 v3, $0x80000  }
0x25d: {  	v3 =	vnsel vm0, s5, v3  }
0x25e: {  	[tilespmem:s30+$0x20] =	vst v3  }
0x25f: {  	v3 =	vld [tilespmem:s0+$0x0];
	_ =	sdelay $0x4  }
.Ltmp21:
0x260: {  	v3 =	vsub.s32 v3, v1;
	(pc) =	sbr.rel @p0 .LBB2_35-.Ltmp21, $4  }
0x261: {  	vm0 =	vlt.u32 v3, $0x80000  }
0x262: {  	v3 =	vnsel vm0, s31, v3;
	s31 =	smov.u32 s2  }
0x263: {  	s0 =	sadd.s32 $0x100, s0;
	[tilespmem:s30+$0x30] =	vst v3  }
0x264: {  	s2 =	sadd.s32 $0x80, s2;
	v3 =	vld [tilespmem:s0+$0xFFFFFF90]  }
0x265: {  	_ =	sdelay $0x3  }
0x266: {  	v3 =	vsub.s32 v3, v1  }
0x267: {  	s2 =	sadd.s32 $0xFFFFFF90, s31;
	vm0 =	vlt.u32 v3, $0x80000  }
0x268: {  	v3 =	vnsel vm0, s2, v3;
	s2 =	sadd.s32 $0x80, s30  }
0x269: {  	[tilespmem:s2+$0xFFFFFFC0] =	vst v3  }
0x26a: {  	v3 =	vld [tilespmem:s0+$0xFFFFFFA0];
	_ =	sdelay $0x4  }
0x26b: {  	v3 =	vsub.s32 v3, v1  }
0x26c: {  	s5 =	sadd.s32 $0xFFFFFFA0, s31;
	vm9 =	vlt.u32 v3, $0x80000  }
0x26d: {  	v3 =	vnsel vm9, s5, v3  }
0x26e: {  	[tilespmem:s2+$0xFFFFFFD0] =	vst v3  }
0x26f: {  	v3 =	vld [tilespmem:s0+$0xFFFFFFB0];
	_ =	sdelay $0x4  }
0x270: {  	v3 =	vsub.s32 v3, v1  }
0x271: {  	s30 =	sadd.s32 $0xFFFFFFB0, s31;
	vm10 =	vlt.u32 v3, $0x80000  }
0x272: {  	v3 =	vnsel vm10, s30, v3  }
0x273: {  	[tilespmem:s2+$0xFFFFFFE0] =	vst v3  }
0x274: {  	v3 =	vld [tilespmem:s0+$0xFFFFFFC0];
	_ =	sdelay $0x4  }
0x275: {  	v3 =	vsub.s32 v3, v1  }
0x276: {  	s30 =	sadd.s32 $0xFFFFFFC0, s31;
	vm11 =	vlt.u32 v3, $0x80000  }
0x277: {  	v3 =	vnsel vm11, s30, v3  }
0x278: {  	[tilespmem:s2+$0xFFFFFFF0] =	vst v3  }
0x279: {  	v3 =	vld [tilespmem:s0+$0xFFFFFFD0];
	_ =	sdelay $0x4  }
0x27a: {  	v3 =	vsub.s32 v3, v1  }
0x27b: {  	s30 =	sadd.s32 $0xFFFFFFD0, s31;
	vm12 =	vlt.u32 v3, $0x80000  }
0x27c: {  	v3 =	vnsel vm12, s30, v3  }
0x27d: {  	[tilespmem:s2+$0x0] =	vst v3  }
0x27e: {  	v3 =	vld [tilespmem:s0+$0xFFFFFFE0];
	_ =	sdelay $0x4  }
0x27f: {  	v3 =	vsub.s32 v3, v1  }
0x280: {  	s30 =	sadd.s32 $0xFFFFFFE0, s31;
	vm13 =	vlt.u32 v3, $0x80000  }
0x281: {  	v3 =	vnsel vm13, s30, v3  }
0x282: {  	[tilespmem:s2+$0x10] =	vst v3  }
0x283: {  	v3 =	vld [tilespmem:s0+$0xFFFFFFF0];
	_ =	sdelay $0x4  }
0x284: {  	v3 =	vsub.s32 v3, v1  }
0x285: {  	s30 =	sadd.s32 $0xFFFFFFF0, s31;
	vm14 =	vlt.u32 v3, $0x80000  }
0x286: {  	v3 =	vnsel vm14, s30, v3  }
0x287: {  	[tilespmem:s2+$0x20] =	vst v3  }
0x288: {  	v3 =	vld [tilespmem:s0+$0x0];
	_ =	sdelay $0x3  }
0x289: {  	p0 =	seq.s32 s26, $0x7  }
.Ltmp22:
0x28a: {  	v3 =	vsub.s32 v3, v1;
	(pc) =	sbr.rel @p0 .LBB2_40-.Ltmp22, $4  }
0x28b: {  	vm15 =	vlt.u32 v3, $0x80000  }
0x28c: {  	v3 =	vnsel vm15, s31, v3  }
0x28d: {  	[tilespmem:s2+$0x30] =	vst v3  }
0x28e: {  	[spmem:s1] =	stream.indirect.scatter [tilespmem:s20], [sflag:$0x4], $0x1, s23, s18, $0xb8;
	[tilespmem:$0x12200] =	vst v63  }
0x28f: {  	s0 =	sadd.s32 s28, s10  }
0x290: {  	s0 =	sshrl.u32 s0, $0x3  }
0x291: {  	s2 =	simm.s32 $0x80;
	s0 =	sadd.s32 s4, s0  }
0x292: {  	s26 =	simm.s32 $0x10;
	s28 =	simm.s32 $0x180;
	s30 =	sadd.s32 $0x0, s0  }
.LBB2_38:
0x293: {  	[tilespmem:s2], [sflag:$0x2] =	stream.linear.gather [hbm4b:s30+s3], $0x80, $0x38;
	[tilespmem:$0x12200] =	vst v63  }
0x294: {  	s5 =	smov.u32 s26;
	s2 =	smov.u32 s28;
	p0 =	sne.s32 s26, $0x3F0  }
.Ltmp23:
0x295: {  	s26 =	sadd.s32 $0x10, s26;
	(pc) =	sbr.rel @p0 .LBB2_38-.Ltmp23, $2  }
0x296: {  	_ =	sdelay $0x2  }
0x297: {  	s28 =	sadd.s32 $0x100, s28;
	s30 =	sadd.s32 s5, s0  }
0x298: {  	p0 =	sne.s32 s29, $0x8  }
.Ltmp24:
0x299: {  	_ = 	snop;
	(pc) =	sbr.rel @p0 .LBB2_26-.Ltmp24, $4  }
.Ltmp25:
0x29a: {  	_ = 	snop;
	(pc) =	sbr.rel @!p0 .LBB2_40-.Ltmp25, $4  }
0x29b: {  	_ = 	snop  }
0x29c: {  	[tilespmem:s2], [sflag:$0x2] =	stream.linear.gather [hbm4b:s30+s3], $0x80, $0x38;
	[tilespmem:$0x12200] =	vst v63  }
0x29d: {  	s26 =	smov.u32 s29  }
0x29e: {  	_ = 	snop  }
.LBB2_41:
0x29f: {  	_ =	sfence.sel $0x180000  }
0x2a0: {  	[bflag:$0x0] =	sbarrier.arrive $0xFFFF  }
0x2a1: {  	_ =	strace $0x90000047  }
0x2a2: {  	s0 =	stileid.u32;
	[bflag:$0x2] =	sbarrier.arrive $0xFFFF  }
0x2a3: {  	p0 =	sne.s32 s0, $0x0;
	s0 =	rddreg [dreg:$0x4]  }
0x2a4: {  	s0 =	sadd.s32 @!p0 $0x100000, s0  }
0x2a5: {  	[sflag:s0] =	ssyncadd.tile.s32 @!p0 $0x1;
	_ =	shalt  }
.Lfunc_end2:
_tile_overlayer_lowered:
.L_overlay_start_2:
0x2a6: {  	(tag) =	ssettag $0x2  }
0x2a7: {  	s0 =	rddreg [dreg:$0x0];
	s2 =	stileid.u32  }
0x2a8: {  	s1 =	rddreg [dreg:$0x1];
	p0 =	sne.s32 s2, $0x0  }
0x2a9: {  	s3 =	rddreg [dreg:$0x2];
	[bflag:$0x3] =	sbarrier.arrive $0xFFFF;
	s2 =	simm.s32 @!p0 $0x1C05  }
0x2aa: {  	[timem:s3], [sflag:s2] =	dma.local @!p0 [hbm:s0], s1  }
0x2ab: {  	s0 =	simm.s32 @!p0 $0x5  }
0x2ac: {  	_ =	swait.ge @!p0 [sflag:s0], s1  }
0x2ad: {  	s1 =	ssub.s32 @!p0 $0x0, s1;
	[sflag:s0] =	ssyncset.done @!p0 $0x0  }
0x2ae: {  	[sflag:s0] =	ssyncadd.s32 @!p0 s1  }
0x2af: {  	[bflag:$0x3] =	sbarrier.arrive $0xFFFF  }
0x2b0: {  	_ =	shalt  }

</sc_bundles>
